<compile_context>
chip_gen: v7x
topology: tpu7x:2x2x1
jax: 0.10.2.dev20260603
libtpu: 0.0.44.dev20260713+nightly
codegen_flags: <defaults>
</compile_context>

<pallas_src>
import functools

import jax
import jax.numpy as jnp
from jax import lax
from jax.experimental import pallas as pl
from jax.experimental.pallas import tpu as pltpu
from jax.experimental.pallas import tpu_sc as plsc

N = 10000
E = 320000
D = 128
H = 128
C = 16

NC = 2
NS = 16
NW = NC * NS
CHUNK = 256
EPW = -(-E // NW)
EPW_PAD = -(-EPW // CHUNK) * CHUNK
E_PAD = EPW_PAD * NW
STEPS = EPW_PAD // CHUNK
RCP = 632
BR = 1000
GRID = N // BR


def _row_range(sid):
    return pl.multiple_of(jnp.minimum(sid * RCP, N - RCP), 8)


def _deg_body(dst_hbm, ones_hbm, zeros_hbm, deg_hbm, shared, ones_v, didx_v):
    cid = lax.axis_index("c")
    sid = lax.axis_index("s")
    r0 = _row_range(sid)
    pltpu.sync_copy(ones_hbm, ones_v)
    pltpu.sync_copy(zeros_hbm.at[pl.ds(r0, RCP)], shared.at[pl.ds(r0, RCP)])
    plsc.subcore_barrier()
    base = (cid * NS + sid) * EPW_PAD

    @pl.loop(0, STEPS)
    def _(k):
        pltpu.sync_copy(dst_hbm.at[pl.ds(base + k * CHUNK, CHUNK)], didx_v)
        pltpu.sync_copy(ones_v, shared.at[didx_v], add=True)

    plsc.subcore_barrier()
    pltpu.sync_copy(shared.at[pl.ds(r0, RCP)],
                    deg_hbm.at[cid, pl.ds(r0, RCP)])


def _scatter_body(y_hbm, src_hbm, dst_hbm, zeros_hbm, acc_hbm,
                  shared, s0, d0, r0_v, gs0):
    cid = lax.axis_index("c")
    sid = lax.axis_index("s")
    row0 = _row_range(sid)
    wid = cid * NS + sid
    base = wid * EPW_PAD
    pltpu.sync_copy(zeros_hbm.at[pl.ds(row0, RCP)],
                    shared.at[pl.ds(row0, RCP)])
    plsc.subcore_barrier()

    def src_chunk(c):
        return src_hbm.at[pl.ds(base + c * CHUNK, CHUNK)]

    def dst_chunk(c):
        return dst_hbm.at[pl.ds(base + c * CHUNK, CHUNK)]

    @pl.loop(0, STEPS)
    def _(k):
        pltpu.sync_copy(src_chunk(k), s0)
        pltpu.sync_copy(dst_chunk(k), d0)
        pltpu.async_copy(y_hbm.at[s0], r0_v, gs0).wait()
        pltpu.sync_copy(r0_v, shared.at[d0], add=True)

    plsc.subcore_barrier()
    pltpu.sync_copy(shared.at[pl.ds(row0, RCP)],
                    acc_hbm.at[cid, pl.ds(row0, RCP)])


@functools.cache
def _sc_kernels():
    mesh = plsc.VectorSubcoreMesh(core_axis_name="c", subcore_axis_name="s")
    deg = pl.kernel(
        _deg_body,
        out_type=jax.ShapeDtypeStruct((NC, N, C), jnp.float32),
        mesh=mesh,
        scratch_types=[
            pltpu.VMEM_SHARED((N + 16, C), jnp.float32),
            pltpu.VMEM((CHUNK, C), jnp.float32),
            pltpu.VMEM((CHUNK,), jnp.int32),
        ],
    )
    scatter = pl.kernel(
        _scatter_body,
        out_type=jax.ShapeDtypeStruct((NC, N, H), jnp.float32),
        mesh=mesh,
        scratch_types=[
            pltpu.VMEM_SHARED((N + 16, H), jnp.float32),
            pltpu.VMEM((CHUNK,), jnp.int32),
            pltpu.VMEM((CHUNK,), jnp.int32),
            pltpu.VMEM((CHUNK, H), jnp.float32),
            pltpu.SemaphoreType.DMA,
        ],
    )
    return deg, scatter



def _mm_body(x_ref, w_ref, o_ref):
    o_ref[...] = jnp.dot(x_ref[...], w_ref[...],
                         preferred_element_type=jnp.float32)


def _dis_y_body(degs_ref, xw_ref, dis_ref, y_ref):
    dis = lax.rsqrt(degs_ref[0] + degs_ref[1] + 1.0)
    dis_ref[...] = dis
    y_ref[...] = xw_ref[...] * dis[:, 0:1]


def _layer_body(acc_ref, y_ref, dis_ref, b_ref, w_ref, yout_ref):
    dis = dis_ref[:, 0:1]
    h = jnp.maximum(
        (acc_ref[0] + acc_ref[1] + y_ref[...]) * dis + b_ref[...], 0.0)
    yout_ref[...] = jnp.dot(h, w_ref[...],
                            preferred_element_type=jnp.float32) * dis


def _final_body(acc_ref, y_ref, dis_ref, b_ref, wl1_ref, bl1_ref,
                wl2_ref, bl2_ref, o_ref):
    dis = dis_ref[:, 0:1]
    h = jnp.maximum(
        (acc_ref[0] + acc_ref[1] + y_ref[...]) * dis + b_ref[...], 0.0)
    t = jnp.maximum(
        jnp.dot(h, wl1_ref[...], preferred_element_type=jnp.float32)
        + bl1_ref[...], 0.0)
    z = (jnp.dot(t, wl2_ref[...], preferred_element_type=jnp.float32)
         + bl2_ref[...])
    m = jnp.max(z, axis=-1, keepdims=True)
    o_ref[...] = z - m - jnp.log(
        jnp.sum(jnp.exp(z - m), axis=-1, keepdims=True))


def _row_spec(cols):
    return pl.BlockSpec((BR, cols), lambda i: (i, 0))


def _full_spec(shape):
    return pl.BlockSpec(shape, lambda i: tuple(0 for _ in shape))


_acc_spec = pl.BlockSpec((NC, BR, H), lambda i: (0, i, 0))

_mm_call = pl.pallas_call(
    _mm_body,
    grid=(GRID,),
    in_specs=[_row_spec(D), _full_spec((D, H))],
    out_specs=_row_spec(H),
    out_shape=jax.ShapeDtypeStruct((N, H), jnp.float32),
)

_dis_y_call = pl.pallas_call(
    _dis_y_body,
    grid=(GRID,),
    in_specs=[pl.BlockSpec((NC, BR, C), lambda i: (0, i, 0)), _row_spec(H)],
    out_specs=[_row_spec(C), _row_spec(H)],
    out_shape=[jax.ShapeDtypeStruct((N, C), jnp.float32),
               jax.ShapeDtypeStruct((N, H), jnp.float32)],
)

_layer_call = pl.pallas_call(
    _layer_body,
    grid=(GRID,),
    in_specs=[_acc_spec, _row_spec(H), _row_spec(C),
              _full_spec((1, H)), _full_spec((H, H))],
    out_specs=_row_spec(H),
    out_shape=jax.ShapeDtypeStruct((N, H), jnp.float32),
)

_final_call = pl.pallas_call(
    _final_body,
    grid=(GRID,),
    in_specs=[_acc_spec, _row_spec(H), _row_spec(C),
              _full_spec((1, H)), _full_spec((H, H)), _full_spec((1, H)),
              _full_spec((H, C)), _full_spec((1, C))],
    out_specs=_row_spec(C),
    out_shape=jax.ShapeDtypeStruct((N, C), jnp.float32),
)



def kernel(x, edge_index, batch, W1, b1, W2, b2, W3, b3, Wl1, bl1, Wl2, bl2):
    src = edge_index[0]
    dst = edge_index[1]
    pad = E_PAD - E
    src_p = jnp.concatenate([src, jnp.zeros((pad,), jnp.int32)])
    dst_p = jnp.concatenate([dst, jnp.full((pad,), N, jnp.int32)])

    zeros_h = jnp.zeros((N, H), jnp.float32)
    zeros_c = jnp.zeros((N, C), jnp.float32)
    ones_c = jnp.ones((CHUNK, C), jnp.float32)

    deg_kernel, scatter_kernel = _sc_kernels()
    degs = deg_kernel(dst_p, ones_c, zeros_c)
    xw1 = _mm_call(x, W1)
    dis, y1 = _dis_y_call(degs, xw1)

    acc1 = scatter_kernel(y1, src_p, dst_p, zeros_h)
    y2 = _layer_call(acc1, y1, dis, b1.reshape(1, H), W2)
    acc2 = scatter_kernel(y2, src_p, dst_p, zeros_h)
    y3 = _layer_call(acc2, y2, dis, b2.reshape(1, H), W3)
    acc3 = scatter_kernel(y3, src_p, dst_p, zeros_h)
    return _final_call(acc3, y3, dis, b3.reshape(1, H), Wl1,
                       bl1.reshape(1, H), Wl2, bl2.reshape(1, C))

# --- scband reference (transcript-rebuilt; emitter-appended) ---
"""Pipeline reference for scband-gcn-node-53824530153630 (READ-ONLY COPY).

The authoritative reference and input builder live on the scoring server;
editing this copy changes nothing except your own understanding.
"""

import jax, jax.numpy as jnp
import numpy as np

N = 10000
E = 320000
D = 128
H = 128
C = 16


def gcn_conv(x, edge_index, W, b):
    # Faithful GCNConv with normalize=True, add_self_loops=True (PyG semantics)
    n = x.shape[0]
    src = edge_index[0]
    dst = edge_index[1]
    loop = jnp.arange(n, dtype=edge_index.dtype)
    src = jnp.concatenate([src, loop])
    dst = jnp.concatenate([dst, loop])
    # degree computed on destination nodes with unit edge weights
    deg = jnp.zeros((n,), dtype=x.dtype).at[dst].add(jnp.ones((src.shape[0],), dtype=x.dtype))
    dis = jnp.where(deg > 0, jax.lax.rsqrt(deg), 0.0)
    norm = dis[src] * dis[dst]
    xw = x @ W
    msg = jnp.take(xw, src, axis=0) * norm[:, None]
    out = jnp.zeros((n, xw.shape[1]), dtype=x.dtype).at[dst].add(msg)
    return out + b


def setup_inputs(seed: int = 0) -> dict:
    key = jax.random.key(seed)
    ks = jax.random.split(key, 16)
    x = jax.random.normal(ks[0], (N, D), dtype=jnp.float32)
    edge_index = jax.random.randint(ks[1], (2, E), 0, N, dtype=jnp.int32)
    batch = jnp.zeros((N,), dtype=jnp.int32)
    s_d = 1.0 / np.sqrt(D)
    s_h = 1.0 / np.sqrt(H)
    W1 = jax.random.normal(ks[2], (D, H), dtype=jnp.float32) * s_d
    b1 = jnp.zeros((H,), dtype=jnp.float32)
    W2 = jax.random.normal(ks[3], (H, H), dtype=jnp.float32) * s_h
    b2 = jnp.zeros((H,), dtype=jnp.float32)
    W3 = jax.random.normal(ks[4], (H, H), dtype=jnp.float32) * s_h
    b3 = jnp.zeros((H,), dtype=jnp.float32)
    Wl1 = jax.random.normal(ks[5], (H, H), dtype=jnp.float32) * s_h
    bl1 = jnp.zeros((H,), dtype=jnp.float32)
    Wl2 = jax.random.normal(ks[6], (H, C), dtype=jnp.float32) * s_h
    bl2 = jnp.zeros((C,), dtype=jnp.float32)
    return {"x": x, "edge_index": edge_index, "batch": batch,
            "W1": W1, "b1": b1, "W2": W2, "b2": b2, "W3": W3, "b3": b3,
            "Wl1": Wl1, "bl1": bl1, "Wl2": Wl2, "bl2": bl2}


def reference(x, edge_index, batch, W1, b1, W2, b2, W3, b3, Wl1, bl1, Wl2, bl2):
    # conv1 + relu
    h = jax.nn.relu(gcn_conv(x, edge_index, W1, b1))
    # num_layers - 1 = 2 additional convs, each followed by relu
    h = jax.nn.relu(gcn_conv(h, edge_index, W2, b2))
    h = jax.nn.relu(gcn_conv(h, edge_index, W3, b3))
    # lin1 + relu, lin2, log_softmax
    h = jax.nn.relu(h @ Wl1 + bl1)
    h = h @ Wl2 + bl2
    return jax.nn.log_softmax(h, axis=-1)

if __name__ == "__main__":
    import jax
    _d = setup_inputs()
    print(jax.jit(kernel)(*tuple(_d.values())))

</pallas_src>

<mosaic_0001>
#map = affine_map<(d0, d1) -> (0, 0)>
#map1 = affine_map<(d0, d1) -> (0)>
#map2 = affine_map<(d0, d1) -> (0, 0, 0)>
module attributes {stable_mosaic.version = 14 : i64} {
  func.func @_scatter_body(%arg0: i32, %arg1: i32, %arg2: memref<10000x128xf32, #tpu.memory_space<hbm>>, %arg3: memref<327680xi32, #tpu.memory_space<hbm>>, %arg4: memref<327680xi32, #tpu.memory_space<hbm>>, %arg5: memref<10000x128xf32, #tpu.memory_space<hbm>>, %arg6: memref<2x10000x128xf32, #tpu.memory_space<hbm>>, %arg7: memref<10016x128xf32, #tpu.memory_space<vmem_shared>>, %arg8: memref<256xi32, #tpu.memory_space<vmem>>, %arg9: memref<256xi32, #tpu.memory_space<vmem>>, %arg10: memref<256x128xf32, #tpu.memory_space<vmem>>, %arg11: memref<!tpu.dma_semaphore, #tpu.memory_space<semaphore_mem>>) attributes {dimension_semantics = [#tpu.dimension_semantics<core_parallel>, #tpu.dimension_semantics<subcore_parallel>], iteration_bounds = array<i64: 2, 16>, scalar_prefetch = 0 : i64, scratch_operands = 5 : i64, tpu.core_type = #tpu.core_type<sc_vector_subcore>, window_params = [{transform_indices = #map}, {transform_indices = #map1}, {transform_indices = #map1}, {transform_indices = #map}, {transform_indices = #map2}]} {
    %mul3A = arith.constant 632 : i32
    %mul3A_0 = arith.muli %arg1, %mul3A : i32
    %min3A = arith.constant 9368 : i32
    %min3A_1 = arith.minsi %mul3A_0, %min3A : i32
    %multiple_of3A = tpu.assume_multiple %min3A_1, 8 : i32
    %mul3A_2 = arith.constant 16 : i32
    %mul3A_3 = arith.muli %arg0, %mul3A_2 : i32
    %add3A = arith.addi %mul3A_3, %arg1 : i32
    %mul3A_4 = arith.constant 10240 : i32
    %mul3A_5 = arith.muli %add3A, %mul3A_4 : i32
    "tpu.region"() ({
      %run_scoped3A = tpu.sem_alloc : memref<!tpu.dma_semaphore, #tpu.memory_space<semaphore_mem>>
      %dma_start3A = arith.constant 0 : i32
      %dma_start3A_11 = tpu.memref_slice %arg7[%multiple_of3A, %dma_start3A] : memref<10016x128xf32, #tpu.memory_space<vmem_shared>> -> memref<632x128xf32, #tpu.memory_space<vmem_shared>>
      %dma_start3A_12 = arith.constant 0 : i32
      %dma_start3A_13 = tpu.memref_slice %arg5[%multiple_of3A, %dma_start3A_12] : memref<10000x128xf32, #tpu.memory_space<hbm>> -> memref<632x128xf32, #tpu.memory_space<hbm>>
      tpu.enqueue_dma source(%dma_start3A_13 : memref<632x128xf32, #tpu.memory_space<hbm>>) target(%dma_start3A_11 : memref<632x128xf32, #tpu.memory_space<vmem_shared>>) target_semaphore(%run_scoped3A : memref<!tpu.dma_semaphore, #tpu.memory_space<semaphore_mem>>)
      %dma_wait3A = arith.constant 0 : i32
      %dma_wait3A_14 = tpu.memref_slice %arg7[%multiple_of3A, %dma_wait3A] : memref<10016x128xf32, #tpu.memory_space<vmem_shared>> -> memref<632x128xf32, #tpu.memory_space<vmem_shared>>
      %dma_wait3A_15 = arith.constant 0 : i32
      %dma_wait3A_16 = tpu.memref_slice %arg5[%multiple_of3A, %dma_wait3A_15] : memref<10000x128xf32, #tpu.memory_space<hbm>> -> memref<632x128xf32, #tpu.memory_space<hbm>>
      tpu.wait_dma2 semaphore(%run_scoped3A : memref<!tpu.dma_semaphore, #tpu.memory_space<semaphore_mem>>) src(%dma_wait3A_16 : memref<632x128xf32, #tpu.memory_space<hbm>>) dst(%dma_wait3A_14 : memref<632x128xf32, #tpu.memory_space<vmem_shared>>)
      tpu.yield
    }) : () -> ()
    %barrier3A = arith.constant 0 : index
    tpu.barrier barrier_id(%barrier3A)
    %scan3A = arith.constant 0 : i32
    %scan3A_6 = arith.constant 40 : i32
    %scan3A_7 = arith.addi %scan3A, %scan3A_6 : i32
    %scan3A_8 = arith.constant 1 : i32
    scf.for %scan3A_11 = %scan3A to %scan3A_7 step %scan3A_8  : i32 {
      %mul3A_12 = arith.constant 1 : i32
      %mul3A_13 = arith.muli %scan3A_11, %mul3A_12 : i32
      %add3A_14 = arith.constant 0 : i32
      %add3A_15 = arith.addi %add3A_14, %mul3A_13 : i32
      %mul3A_16 = arith.constant 256 : i32
      %mul3A_17 = arith.muli %add3A_15, %mul3A_16 : i32
      %add3A_18 = arith.addi %mul3A_5, %mul3A_17 : i32
      "tpu.region"() ({
        %run_scoped3A = tpu.sem_alloc : memref<!tpu.dma_semaphore, #tpu.memory_space<semaphore_mem>>
        %dma_start3A_26 = tpu.memref_slice %arg3[%add3A_18] : memref<327680xi32, #tpu.memory_space<hbm>> -> memref<256xi32, #tpu.memory_space<hbm>>
        %dma_start3A_27 = tpu.memref_slice %arg3[%add3A_18] : memref<327680xi32, #tpu.memory_space<hbm>> -> memref<256xi32, #tpu.memory_space<hbm>>
        tpu.enqueue_dma source(%dma_start3A_27 : memref<256xi32, #tpu.memory_space<hbm>>) target(%arg8 : memref<256xi32, #tpu.memory_space<vmem>>) target_semaphore(%run_scoped3A : memref<!tpu.dma_semaphore, #tpu.memory_space<semaphore_mem>>)
        %dma_wait3A_28 = tpu.memref_slice %arg3[%add3A_18] : memref<327680xi32, #tpu.memory_space<hbm>> -> memref<256xi32, #tpu.memory_space<hbm>>
        %dma_wait3A_29 = tpu.memref_slice %arg3[%add3A_18] : memref<327680xi32, #tpu.memory_space<hbm>> -> memref<256xi32, #tpu.memory_space<hbm>>
        tpu.wait_dma2 semaphore(%run_scoped3A : memref<!tpu.dma_semaphore, #tpu.memory_space<semaphore_mem>>) src(%dma_wait3A_29 : memref<256xi32, #tpu.memory_space<hbm>>) dst(%arg8 : memref<256xi32, #tpu.memory_space<vmem>>)
        tpu.yield
      }) : () -> ()
      %mul3A_19 = arith.constant 256 : i32
      %mul3A_20 = arith.muli %add3A_15, %mul3A_19 : i32
      %add3A_21 = arith.addi %mul3A_5, %mul3A_20 : i32
      "tpu.region"() ({
        %run_scoped3A = tpu.sem_alloc : memref<!tpu.dma_semaphore, #tpu.memory_space<semaphore_mem>>
        %dma_start3A_26 = tpu.memref_slice %arg4[%add3A_21] : memref<327680xi32, #tpu.memory_space<hbm>> -> memref<256xi32, #tpu.memory_space<hbm>>
        %dma_start3A_27 = tpu.memref_slice %arg4[%add3A_21] : memref<327680xi32, #tpu.memory_space<hbm>> -> memref<256xi32, #tpu.memory_space<hbm>>
        tpu.enqueue_dma source(%dma_start3A_27 : memref<256xi32, #tpu.memory_space<hbm>>) target(%arg9 : memref<256xi32, #tpu.memory_space<vmem>>) target_semaphore(%run_scoped3A : memref<!tpu.dma_semaphore, #tpu.memory_space<semaphore_mem>>)
        %dma_wait3A_28 = tpu.memref_slice %arg4[%add3A_21] : memref<327680xi32, #tpu.memory_space<hbm>> -> memref<256xi32, #tpu.memory_space<hbm>>
        %dma_wait3A_29 = tpu.memref_slice %arg4[%add3A_21] : memref<327680xi32, #tpu.memory_space<hbm>> -> memref<256xi32, #tpu.memory_space<hbm>>
        tpu.wait_dma2 semaphore(%run_scoped3A : memref<!tpu.dma_semaphore, #tpu.memory_space<semaphore_mem>>) src(%dma_wait3A_29 : memref<256xi32, #tpu.memory_space<hbm>>) dst(%arg9 : memref<256xi32, #tpu.memory_space<vmem>>)
        tpu.yield
      }) : () -> ()
      %dma_start3A = arith.constant 0 : i32
      %dma_start3A_22 = arith.constant 0 : i32
      %dma_start3A_23 = tpu.memref_slice %arg2[%dma_start3A, %dma_start3A_22] : memref<10000x128xf32, #tpu.memory_space<hbm>> -> memref<10000x128xf32, #tpu.memory_space<hbm>>
      tpu.enqueue_indirect_dma source(%dma_start3A_23 : memref<10000x128xf32, #tpu.memory_space<hbm>>) target(%arg10 : memref<256x128xf32, #tpu.memory_space<vmem>>) offsets(%arg8 : memref<256xi32, #tpu.memory_space<vmem>>) semaphore(%arg11 : memref<!tpu.dma_semaphore, #tpu.memory_space<semaphore_mem>>)
      %dma_wait3A = arith.constant 0 : i32
      %dma_wait3A_24 = arith.constant 0 : i32
      %dma_wait3A_25 = tpu.memref_slice %arg2[%dma_wait3A, %dma_wait3A_24] : memref<10000x128xf32, #tpu.memory_space<hbm>> -> memref<10000x128xf32, #tpu.memory_space<hbm>>
      tpu.wait_indirect_dma semaphore(%arg11 : memref<!tpu.dma_semaphore, #tpu.memory_space<semaphore_mem>>) src(%dma_wait3A_25 : memref<10000x128xf32, #tpu.memory_space<hbm>>) dst(%arg10 : memref<256x128xf32, #tpu.memory_space<vmem>>)
      "tpu.region"() ({
        %run_scoped3A = tpu.sem_alloc : memref<!tpu.dma_semaphore, #tpu.memory_space<semaphore_mem>>
        %dma_start3A_26 = arith.constant 0 : i32
        %dma_start3A_27 = arith.constant 0 : i32
        %dma_start3A_28 = tpu.memref_slice %arg7[%dma_start3A_26, %dma_start3A_27] : memref<10016x128xf32, #tpu.memory_space<vmem_shared>> -> memref<10016x128xf32, #tpu.memory_space<vmem_shared>>
        tpu.enqueue_indirect_dma source(%arg10 : memref<256x128xf32, #tpu.memory_space<vmem>>) target(%dma_start3A_28 : memref<10016x128xf32, #tpu.memory_space<vmem_shared>>) offsets(%arg9 : memref<256xi32, #tpu.memory_space<vmem>>) semaphore(%run_scoped3A : memref<!tpu.dma_semaphore, #tpu.memory_space<semaphore_mem>>) {add = true}
        %dma_wait3A_29 = arith.constant 0 : i32
        %dma_wait3A_30 = arith.constant 0 : i32
        %dma_wait3A_31 = tpu.memref_slice %arg7[%dma_wait3A_29, %dma_wait3A_30] : memref<10016x128xf32, #tpu.memory_space<vmem_shared>> -> memref<10016x128xf32, #tpu.memory_space<vmem_shared>>
        tpu.wait_indirect_dma semaphore(%run_scoped3A : memref<!tpu.dma_semaphore, #tpu.memory_space<semaphore_mem>>) src(%arg10 : memref<256x128xf32, #tpu.memory_space<vmem>>) dst(%dma_wait3A_31 : memref<10016x128xf32, #tpu.memory_space<vmem_shared>>)
        tpu.yield
      }) : () -> ()
    }
    %scan3A_9 = arith.constant 40 : i32
    %barrier3A_10 = arith.constant 0 : index
    tpu.barrier barrier_id(%barrier3A_10)
    "tpu.region"() ({
      %run_scoped3A = tpu.sem_alloc : memref<!tpu.dma_semaphore, #tpu.memory_space<semaphore_mem>>
      %dma_start3A = arith.constant 0 : i32
      %dma_start3A_11 = tpu.memref_slice %arg6[%arg0, %multiple_of3A, %dma_start3A] : memref<2x10000x128xf32, #tpu.memory_space<hbm>> -> memref<1x632x128xf32, #tpu.memory_space<hbm>>
      %dma_start3A_12 = tpu.memref_squeeze %dma_start3A_11 : memref<1x632x128xf32, #tpu.memory_space<hbm>> -> memref<632x128xf32, #tpu.memory_space<hbm>>
      %dma_start3A_13 = arith.constant 0 : i32
      %dma_start3A_14 = tpu.memref_slice %arg7[%multiple_of3A, %dma_start3A_13] : memref<10016x128xf32, #tpu.memory_space<vmem_shared>> -> memref<632x128xf32, #tpu.memory_space<vmem_shared>>
      tpu.enqueue_dma source(%dma_start3A_14 : memref<632x128xf32, #tpu.memory_space<vmem_shared>>) target(%dma_start3A_12 : memref<632x128xf32, #tpu.memory_space<hbm>>) target_semaphore(%run_scoped3A : memref<!tpu.dma_semaphore, #tpu.memory_space<semaphore_mem>>)
      %dma_wait3A = arith.constant 0 : i32
      %dma_wait3A_15 = tpu.memref_slice %arg6[%arg0, %multiple_of3A, %dma_wait3A] : memref<2x10000x128xf32, #tpu.memory_space<hbm>> -> memref<1x632x128xf32, #tpu.memory_space<hbm>>
      %dma_wait3A_16 = tpu.memref_squeeze %dma_wait3A_15 : memref<1x632x128xf32, #tpu.memory_space<hbm>> -> memref<632x128xf32, #tpu.memory_space<hbm>>
      %dma_wait3A_17 = arith.constant 0 : i32
      %dma_wait3A_18 = tpu.memref_slice %arg7[%multiple_of3A, %dma_wait3A_17] : memref<10016x128xf32, #tpu.memory_space<vmem_shared>> -> memref<632x128xf32, #tpu.memory_space<vmem_shared>>
      tpu.wait_dma2 semaphore(%run_scoped3A : memref<!tpu.dma_semaphore, #tpu.memory_space<semaphore_mem>>) src(%dma_wait3A_18 : memref<632x128xf32, #tpu.memory_space<vmem_shared>>) dst(%dma_wait3A_16 : memref<632x128xf32, #tpu.memory_space<hbm>>)
      tpu.yield
    }) : () -> ()
    return
  }
}

#map = affine_map<(d0, d1) -> (0)>
#map1 = affine_map<(d0, d1) -> (0, 0)>
#map2 = affine_map<(d0, d1) -> (0, 0, 0)>
module attributes {stable_mosaic.version = 14 : i64} {
  func.func @_deg_body(%arg0: i32, %arg1: i32, %arg2: memref<327680xi32, #tpu.memory_space<hbm>>, %arg3: memref<256x16xf32, #tpu.memory_space<hbm>>, %arg4: memref<10000x16xf32, #tpu.memory_space<hbm>>, %arg5: memref<2x10000x16xf32, #tpu.memory_space<hbm>>, %arg6: memref<10016x16xf32, #tpu.memory_space<vmem_shared>>, %arg7: memref<256x16xf32, #tpu.memory_space<vmem>>, %arg8: memref<256xi32, #tpu.memory_space<vmem>>) attributes {dimension_semantics = [#tpu.dimension_semantics<core_parallel>, #tpu.dimension_semantics<subcore_parallel>], iteration_bounds = array<i64: 2, 16>, scalar_prefetch = 0 : i64, scratch_operands = 3 : i64, tpu.core_type = #tpu.core_type<sc_vector_subcore>, window_params = [{transform_indices = #map}, {transform_indices = #map1}, {transform_indices = #map1}, {transform_indices = #map2}]} {
    %mul3A = arith.constant 632 : i32
    %mul3A_0 = arith.muli %arg1, %mul3A : i32
    %min3A = arith.constant 9368 : i32
    %min3A_1 = arith.minsi %mul3A_0, %min3A : i32
    %multiple_of3A = tpu.assume_multiple %min3A_1, 8 : i32
    "tpu.region"() ({
      %run_scoped3A = tpu.sem_alloc : memref<!tpu.dma_semaphore, #tpu.memory_space<semaphore_mem>>
      tpu.enqueue_dma source(%arg3 : memref<256x16xf32, #tpu.memory_space<hbm>>) target(%arg7 : memref<256x16xf32, #tpu.memory_space<vmem>>) target_semaphore(%run_scoped3A : memref<!tpu.dma_semaphore, #tpu.memory_space<semaphore_mem>>)
      tpu.wait_dma2 semaphore(%run_scoped3A : memref<!tpu.dma_semaphore, #tpu.memory_space<semaphore_mem>>) src(%arg3 : memref<256x16xf32, #tpu.memory_space<hbm>>) dst(%arg7 : memref<256x16xf32, #tpu.memory_space<vmem>>)
      tpu.yield
    }) : () -> ()
    "tpu.region"() ({
      %run_scoped3A = tpu.sem_alloc : memref<!tpu.dma_semaphore, #tpu.memory_space<semaphore_mem>>
      %dma_start3A = arith.constant 0 : i32
      %dma_start3A_11 = tpu.memref_slice %arg6[%multiple_of3A, %dma_start3A] : memref<10016x16xf32, #tpu.memory_space<vmem_shared>> -> memref<632x16xf32, #tpu.memory_space<vmem_shared>>
      %dma_start3A_12 = arith.constant 0 : i32
      %dma_start3A_13 = tpu.memref_slice %arg4[%multiple_of3A, %dma_start3A_12] : memref<10000x16xf32, #tpu.memory_space<hbm>> -> memref<632x16xf32, #tpu.memory_space<hbm>>
      tpu.enqueue_dma source(%dma_start3A_13 : memref<632x16xf32, #tpu.memory_space<hbm>>) target(%dma_start3A_11 : memref<632x16xf32, #tpu.memory_space<vmem_shared>>) target_semaphore(%run_scoped3A : memref<!tpu.dma_semaphore, #tpu.memory_space<semaphore_mem>>)
      %dma_wait3A = arith.constant 0 : i32
      %dma_wait3A_14 = tpu.memref_slice %arg6[%multiple_of3A, %dma_wait3A] : memref<10016x16xf32, #tpu.memory_space<vmem_shared>> -> memref<632x16xf32, #tpu.memory_space<vmem_shared>>
      %dma_wait3A_15 = arith.constant 0 : i32
      %dma_wait3A_16 = tpu.memref_slice %arg4[%multiple_of3A, %dma_wait3A_15] : memref<10000x16xf32, #tpu.memory_space<hbm>> -> memref<632x16xf32, #tpu.memory_space<hbm>>
      tpu.wait_dma2 semaphore(%run_scoped3A : memref<!tpu.dma_semaphore, #tpu.memory_space<semaphore_mem>>) src(%dma_wait3A_16 : memref<632x16xf32, #tpu.memory_space<hbm>>) dst(%dma_wait3A_14 : memref<632x16xf32, #tpu.memory_space<vmem_shared>>)
      tpu.yield
    }) : () -> ()
    %barrier3A = arith.constant 0 : index
    tpu.barrier barrier_id(%barrier3A)
    %mul3A_2 = arith.constant 16 : i32
    %mul3A_3 = arith.muli %arg0, %mul3A_2 : i32
    %add3A = arith.addi %mul3A_3, %arg1 : i32
    %mul3A_4 = arith.constant 10240 : i32
    %mul3A_5 = arith.muli %add3A, %mul3A_4 : i32
    %scan3A = arith.constant 0 : i32
    %scan3A_6 = arith.constant 40 : i32
    %scan3A_7 = arith.addi %scan3A, %scan3A_6 : i32
    %scan3A_8 = arith.constant 1 : i32
    scf.for %scan3A_11 = %scan3A to %scan3A_7 step %scan3A_8  : i32 {
      %mul3A_12 = arith.constant 1 : i32
      %mul3A_13 = arith.muli %scan3A_11, %mul3A_12 : i32
      %add3A_14 = arith.constant 0 : i32
      %add3A_15 = arith.addi %add3A_14, %mul3A_13 : i32
      %mul3A_16 = arith.constant 256 : i32
      %mul3A_17 = arith.muli %add3A_15, %mul3A_16 : i32
      %add3A_18 = arith.addi %mul3A_5, %mul3A_17 : i32
      "tpu.region"() ({
        %run_scoped3A = tpu.sem_alloc : memref<!tpu.dma_semaphore, #tpu.memory_space<semaphore_mem>>
        %dma_start3A = tpu.memref_slice %arg2[%add3A_18] : memref<327680xi32, #tpu.memory_space<hbm>> -> memref<256xi32, #tpu.memory_space<hbm>>
        %dma_start3A_19 = tpu.memref_slice %arg2[%add3A_18] : memref<327680xi32, #tpu.memory_space<hbm>> -> memref<256xi32, #tpu.memory_space<hbm>>
        tpu.enqueue_dma source(%dma_start3A_19 : memref<256xi32, #tpu.memory_space<hbm>>) target(%arg8 : memref<256xi32, #tpu.memory_space<vmem>>) target_semaphore(%run_scoped3A : memref<!tpu.dma_semaphore, #tpu.memory_space<semaphore_mem>>)
        %dma_wait3A = tpu.memref_slice %arg2[%add3A_18] : memref<327680xi32, #tpu.memory_space<hbm>> -> memref<256xi32, #tpu.memory_space<hbm>>
        %dma_wait3A_20 = tpu.memref_slice %arg2[%add3A_18] : memref<327680xi32, #tpu.memory_space<hbm>> -> memref<256xi32, #tpu.memory_space<hbm>>
        tpu.wait_dma2 semaphore(%run_scoped3A : memref<!tpu.dma_semaphore, #tpu.memory_space<semaphore_mem>>) src(%dma_wait3A_20 : memref<256xi32, #tpu.memory_space<hbm>>) dst(%arg8 : memref<256xi32, #tpu.memory_space<vmem>>)
        tpu.yield
      }) : () -> ()
      "tpu.region"() ({
        %run_scoped3A = tpu.sem_alloc : memref<!tpu.dma_semaphore, #tpu.memory_space<semaphore_mem>>
        %dma_start3A = arith.constant 0 : i32
        %dma_start3A_19 = arith.constant 0 : i32
        %dma_start3A_20 = tpu.memref_slice %arg6[%dma_start3A, %dma_start3A_19] : memref<10016x16xf32, #tpu.memory_space<vmem_shared>> -> memref<10016x16xf32, #tpu.memory_space<vmem_shared>>
        tpu.enqueue_indirect_dma source(%arg7 : memref<256x16xf32, #tpu.memory_space<vmem>>) target(%dma_start3A_20 : memref<10016x16xf32, #tpu.memory_space<vmem_shared>>) offsets(%arg8 : memref<256xi32, #tpu.memory_space<vmem>>) semaphore(%run_scoped3A : memref<!tpu.dma_semaphore, #tpu.memory_space<semaphore_mem>>) {add = true}
        %dma_wait3A = arith.constant 0 : i32
        %dma_wait3A_21 = arith.constant 0 : i32
        %dma_wait3A_22 = tpu.memref_slice %arg6[%dma_wait3A, %dma_wait3A_21] : memref<10016x16xf32, #tpu.memory_space<vmem_shared>> -> memref<10016x16xf32, #tpu.memory_space<vmem_shared>>
        tpu.wait_indirect_dma semaphore(%run_scoped3A : memref<!tpu.dma_semaphore, #tpu.memory_space<semaphore_mem>>) src(%arg7 : memref<256x16xf32, #tpu.memory_space<vmem>>) dst(%dma_wait3A_22 : memref<10016x16xf32, #tpu.memory_space<vmem_shared>>)
        tpu.yield
      }) : () -> ()
    }
    %scan3A_9 = arith.constant 40 : i32
    %barrier3A_10 = arith.constant 0 : index
    tpu.barrier barrier_id(%barrier3A_10)
    "tpu.region"() ({
      %run_scoped3A = tpu.sem_alloc : memref<!tpu.dma_semaphore, #tpu.memory_space<semaphore_mem>>
      %dma_start3A = arith.constant 0 : i32
      %dma_start3A_11 = tpu.memref_slice %arg5[%arg0, %multiple_of3A, %dma_start3A] : memref<2x10000x16xf32, #tpu.memory_space<hbm>> -> memref<1x632x16xf32, #tpu.memory_space<hbm>>
      %dma_start3A_12 = tpu.memref_squeeze %dma_start3A_11 : memref<1x632x16xf32, #tpu.memory_space<hbm>> -> memref<632x16xf32, #tpu.memory_space<hbm>>
      %dma_start3A_13 = arith.constant 0 : i32
      %dma_start3A_14 = tpu.memref_slice %arg6[%multiple_of3A, %dma_start3A_13] : memref<10016x16xf32, #tpu.memory_space<vmem_shared>> -> memref<632x16xf32, #tpu.memory_space<vmem_shared>>
      tpu.enqueue_dma source(%dma_start3A_14 : memref<632x16xf32, #tpu.memory_space<vmem_shared>>) target(%dma_start3A_12 : memref<632x16xf32, #tpu.memory_space<hbm>>) target_semaphore(%run_scoped3A : memref<!tpu.dma_semaphore, #tpu.memory_space<semaphore_mem>>)
      %dma_wait3A = arith.constant 0 : i32
      %dma_wait3A_15 = tpu.memref_slice %arg5[%arg0, %multiple_of3A, %dma_wait3A] : memref<2x10000x16xf32, #tpu.memory_space<hbm>> -> memref<1x632x16xf32, #tpu.memory_space<hbm>>
      %dma_wait3A_16 = tpu.memref_squeeze %dma_wait3A_15 : memref<1x632x16xf32, #tpu.memory_space<hbm>> -> memref<632x16xf32, #tpu.memory_space<hbm>>
      %dma_wait3A_17 = arith.constant 0 : i32
      %dma_wait3A_18 = tpu.memref_slice %arg6[%multiple_of3A, %dma_wait3A_17] : memref<10016x16xf32, #tpu.memory_space<vmem_shared>> -> memref<632x16xf32, #tpu.memory_space<vmem_shared>>
      tpu.wait_dma2 semaphore(%run_scoped3A : memref<!tpu.dma_semaphore, #tpu.memory_space<semaphore_mem>>) src(%dma_wait3A_18 : memref<632x16xf32, #tpu.memory_space<vmem_shared>>) dst(%dma_wait3A_16 : memref<632x16xf32, #tpu.memory_space<hbm>>)
      tpu.yield
    }) : () -> ()
    return
  }
}

#map = affine_map<(d0, d1) -> (0, 0)>
#map1 = affine_map<(d0, d1) -> (0)>
#map2 = affine_map<(d0, d1) -> (0, 0, 0)>
module attributes {stable_mosaic.version = 14 : i64} {
  func.func @_scatter_body(%arg0: i32, %arg1: i32, %arg2: memref<10000x128xf32, #tpu.memory_space<hbm>>, %arg3: memref<327680xi32, #tpu.memory_space<hbm>>, %arg4: memref<327680xi32, #tpu.memory_space<hbm>>, %arg5: memref<10000x128xf32, #tpu.memory_space<hbm>>, %arg6: memref<2x10000x128xf32, #tpu.memory_space<hbm>>, %arg7: memref<10016x128xf32, #tpu.memory_space<vmem_shared>>, %arg8: memref<256xi32, #tpu.memory_space<vmem>>, %arg9: memref<256xi32, #tpu.memory_space<vmem>>, %arg10: memref<256x128xf32, #tpu.memory_space<vmem>>, %arg11: memref<!tpu.dma_semaphore, #tpu.memory_space<semaphore_mem>>) attributes {dimension_semantics = [#tpu.dimension_semantics<core_parallel>, #tpu.dimension_semantics<subcore_parallel>], iteration_bounds = array<i64: 2, 16>, scalar_prefetch = 0 : i64, scratch_operands = 5 : i64, tpu.core_type = #tpu.core_type<sc_vector_subcore>, window_params = [{transform_indices = #map}, {transform_indices = #map1}, {transform_indices = #map1}, {transform_indices = #map}, {transform_indices = #map2}]} {
    %mul3A = arith.constant 632 : i32
    %mul3A_0 = arith.muli %arg1, %mul3A : i32
    %min3A = arith.constant 9368 : i32
    %min3A_1 = arith.minsi %mul3A_0, %min3A : i32
    %multiple_of3A = tpu.assume_multiple %min3A_1, 8 : i32
    %mul3A_2 = arith.constant 16 : i32
    %mul3A_3 = arith.muli %arg0, %mul3A_2 : i32
    %add3A = arith.addi %mul3A_3, %arg1 : i32
    %mul3A_4 = arith.constant 10240 : i32
    %mul3A_5 = arith.muli %add3A, %mul3A_4 : i32
    "tpu.region"() ({
      %run_scoped3A = tpu.sem_alloc : memref<!tpu.dma_semaphore, #tpu.memory_space<semaphore_mem>>
      %dma_start3A = arith.constant 0 : i32
      %dma_start3A_11 = tpu.memref_slice %arg7[%multiple_of3A, %dma_start3A] : memref<10016x128xf32, #tpu.memory_space<vmem_shared>> -> memref<632x128xf32, #tpu.memory_space<vmem_shared>>
      %dma_start3A_12 = arith.constant 0 : i32
      %dma_start3A_13 = tpu.memref_slice %arg5[%multiple_of3A, %dma_start3A_12] : memref<10000x128xf32, #tpu.memory_space<hbm>> -> memref<632x128xf32, #tpu.memory_space<hbm>>
      tpu.enqueue_dma source(%dma_start3A_13 : memref<632x128xf32, #tpu.memory_space<hbm>>) target(%dma_start3A_11 : memref<632x128xf32, #tpu.memory_space<vmem_shared>>) target_semaphore(%run_scoped3A : memref<!tpu.dma_semaphore, #tpu.memory_space<semaphore_mem>>)
      %dma_wait3A = arith.constant 0 : i32
      %dma_wait3A_14 = tpu.memref_slice %arg7[%multiple_of3A, %dma_wait3A] : memref<10016x128xf32, #tpu.memory_space<vmem_shared>> -> memref<632x128xf32, #tpu.memory_space<vmem_shared>>
      %dma_wait3A_15 = arith.constant 0 : i32
      %dma_wait3A_16 = tpu.memref_slice %arg5[%multiple_of3A, %dma_wait3A_15] : memref<10000x128xf32, #tpu.memory_space<hbm>> -> memref<632x128xf32, #tpu.memory_space<hbm>>
      tpu.wait_dma2 semaphore(%run_scoped3A : memref<!tpu.dma_semaphore, #tpu.memory_space<semaphore_mem>>) src(%dma_wait3A_16 : memref<632x128xf32, #tpu.memory_space<hbm>>) dst(%dma_wait3A_14 : memref<632x128xf32, #tpu.memory_space<vmem_shared>>)
      tpu.yield
    }) : () -> ()
    %barrier3A = arith.constant 0 : index
    tpu.barrier barrier_id(%barrier3A)
    %scan3A = arith.constant 0 : i32
    %scan3A_6 = arith.constant 40 : i32
    %scan3A_7 = arith.addi %scan3A, %scan3A_6 : i32
    %scan3A_8 = arith.constant 1 : i32
    scf.for %scan3A_11 = %scan3A to %scan3A_7 step %scan3A_8  : i32 {
      %mul3A_12 = arith.constant 1 : i32
      %mul3A_13 = arith.muli %scan3A_11, %mul3A_12 : i32
      %add3A_14 = arith.constant 0 : i32
      %add3A_15 = arith.addi %add3A_14, %mul3A_13 : i32
      %mul3A_16 = arith.constant 256 : i32
      %mul3A_17 = arith.muli %add3A_15, %mul3A_16 : i32
      %add3A_18 = arith.addi %mul3A_5, %mul3A_17 : i32
      "tpu.region"() ({
        %run_scoped3A = tpu.sem_alloc : memref<!tpu.dma_semaphore, #tpu.memory_space<semaphore_mem>>
        %dma_start3A_26 = tpu.memref_slice %arg3[%add3A_18] : memref<327680xi32, #tpu.memory_space<hbm>> -> memref<256xi32, #tpu.memory_space<hbm>>
        %dma_start3A_27 = tpu.memref_slice %arg3[%add3A_18] : memref<327680xi32, #tpu.memory_space<hbm>> -> memref<256xi32, #tpu.memory_space<hbm>>
        tpu.enqueue_dma source(%dma_start3A_27 : memref<256xi32, #tpu.memory_space<hbm>>) target(%arg8 : memref<256xi32, #tpu.memory_space<vmem>>) target_semaphore(%run_scoped3A : memref<!tpu.dma_semaphore, #tpu.memory_space<semaphore_mem>>)
        %dma_wait3A_28 = tpu.memref_slice %arg3[%add3A_18] : memref<327680xi32, #tpu.memory_space<hbm>> -> memref<256xi32, #tpu.memory_space<hbm>>
        %dma_wait3A_29 = tpu.memref_slice %arg3[%add3A_18] : memref<327680xi32, #tpu.memory_space<hbm>> -> memref<256xi32, #tpu.memory_space<hbm>>
        tpu.wait_dma2 semaphore(%run_scoped3A : memref<!tpu.dma_semaphore, #tpu.memory_space<semaphore_mem>>) src(%dma_wait3A_29 : memref<256xi32, #tpu.memory_space<hbm>>) dst(%arg8 : memref<256xi32, #tpu.memory_space<vmem>>)
        tpu.yield
      }) : () -> ()
      %mul3A_19 = arith.constant 256 : i32
      %mul3A_20 = arith.muli %add3A_15, %mul3A_19 : i32
      %add3A_21 = arith.addi %mul3A_5, %mul3A_20 : i32
      "tpu.region"() ({
        %run_scoped3A = tpu.sem_alloc : memref<!tpu.dma_semaphore, #tpu.memory_space<semaphore_mem>>
        %dma_start3A_26 = tpu.memref_slice %arg4[%add3A_21] : memref<327680xi32, #tpu.memory_space<hbm>> -> memref<256xi32, #tpu.memory_space<hbm>>
        %dma_start3A_27 = tpu.memref_slice %arg4[%add3A_21] : memref<327680xi32, #tpu.memory_space<hbm>> -> memref<256xi32, #tpu.memory_space<hbm>>
        tpu.enqueue_dma source(%dma_start3A_27 : memref<256xi32, #tpu.memory_space<hbm>>) target(%arg9 : memref<256xi32, #tpu.memory_space<vmem>>) target_semaphore(%run_scoped3A : memref<!tpu.dma_semaphore, #tpu.memory_space<semaphore_mem>>)
        %dma_wait3A_28 = tpu.memref_slice %arg4[%add3A_21] : memref<327680xi32, #tpu.memory_space<hbm>> -> memref<256xi32, #tpu.memory_space<hbm>>
        %dma_wait3A_29 = tpu.memref_slice %arg4[%add3A_21] : memref<327680xi32, #tpu.memory_space<hbm>> -> memref<256xi32, #tpu.memory_space<hbm>>
        tpu.wait_dma2 semaphore(%run_scoped3A : memref<!tpu.dma_semaphore, #tpu.memory_space<semaphore_mem>>) src(%dma_wait3A_29 : memref<256xi32, #tpu.memory_space<hbm>>) dst(%arg9 : memref<256xi32, #tpu.memory_space<vmem>>)
        tpu.yield
      }) : () -> ()
      %dma_start3A = arith.constant 0 : i32
      %dma_start3A_22 = arith.constant 0 : i32
      %dma_start3A_23 = tpu.memref_slice %arg2[%dma_start3A, %dma_start3A_22] : memref<10000x128xf32, #tpu.memory_space<hbm>> -> memref<10000x128xf32, #tpu.memory_space<hbm>>
      tpu.enqueue_indirect_dma source(%dma_start3A_23 : memref<10000x128xf32, #tpu.memory_space<hbm>>) target(%arg10 : memref<256x128xf32, #tpu.memory_space<vmem>>) offsets(%arg8 : memref<256xi32, #tpu.memory_space<vmem>>) semaphore(%arg11 : memref<!tpu.dma_semaphore, #tpu.memory_space<semaphore_mem>>)
      %dma_wait3A = arith.constant 0 : i32
      %dma_wait3A_24 = arith.constant 0 : i32
      %dma_wait3A_25 = tpu.memref_slice %arg2[%dma_wait3A, %dma_wait3A_24] : memref<10000x128xf32, #tpu.memory_space<hbm>> -> memref<10000x128xf32, #tpu.memory_space<hbm>>
      tpu.wait_indirect_dma semaphore(%arg11 : memref<!tpu.dma_semaphore, #tpu.memory_space<semaphore_mem>>) src(%dma_wait3A_25 : memref<10000x128xf32, #tpu.memory_space<hbm>>) dst(%arg10 : memref<256x128xf32, #tpu.memory_space<vmem>>)
      "tpu.region"() ({
        %run_scoped3A = tpu.sem_alloc : memref<!tpu.dma_semaphore, #tpu.memory_space<semaphore_mem>>
        %dma_start3A_26 = arith.constant 0 : i32
        %dma_start3A_27 = arith.constant 0 : i32
        %dma_start3A_28 = tpu.memref_slice %arg7[%dma_start3A_26, %dma_start3A_27] : memref<10016x128xf32, #tpu.memory_space<vmem_shared>> -> memref<10016x128xf32, #tpu.memory_space<vmem_shared>>
        tpu.enqueue_indirect_dma source(%arg10 : memref<256x128xf32, #tpu.memory_space<vmem>>) target(%dma_start3A_28 : memref<10016x128xf32, #tpu.memory_space<vmem_shared>>) offsets(%arg9 : memref<256xi32, #tpu.memory_space<vmem>>) semaphore(%run_scoped3A : memref<!tpu.dma_semaphore, #tpu.memory_space<semaphore_mem>>) {add = true}
        %dma_wait3A_29 = arith.constant 0 : i32
        %dma_wait3A_30 = arith.constant 0 : i32
        %dma_wait3A_31 = tpu.memref_slice %arg7[%dma_wait3A_29, %dma_wait3A_30] : memref<10016x128xf32, #tpu.memory_space<vmem_shared>> -> memref<10016x128xf32, #tpu.memory_space<vmem_shared>>
        tpu.wait_indirect_dma semaphore(%run_scoped3A : memref<!tpu.dma_semaphore, #tpu.memory_space<semaphore_mem>>) src(%arg10 : memref<256x128xf32, #tpu.memory_space<vmem>>) dst(%dma_wait3A_31 : memref<10016x128xf32, #tpu.memory_space<vmem_shared>>)
        tpu.yield
      }) : () -> ()
    }
    %scan3A_9 = arith.constant 40 : i32
    %barrier3A_10 = arith.constant 0 : index
    tpu.barrier barrier_id(%barrier3A_10)
    "tpu.region"() ({
      %run_scoped3A = tpu.sem_alloc : memref<!tpu.dma_semaphore, #tpu.memory_space<semaphore_mem>>
      %dma_start3A = arith.constant 0 : i32
      %dma_start3A_11 = tpu.memref_slice %arg6[%arg0, %multiple_of3A, %dma_start3A] : memref<2x10000x128xf32, #tpu.memory_space<hbm>> -> memref<1x632x128xf32, #tpu.memory_space<hbm>>
      %dma_start3A_12 = tpu.memref_squeeze %dma_start3A_11 : memref<1x632x128xf32, #tpu.memory_space<hbm>> -> memref<632x128xf32, #tpu.memory_space<hbm>>
      %dma_start3A_13 = arith.constant 0 : i32
      %dma_start3A_14 = tpu.memref_slice %arg7[%multiple_of3A, %dma_start3A_13] : memref<10016x128xf32, #tpu.memory_space<vmem_shared>> -> memref<632x128xf32, #tpu.memory_space<vmem_shared>>
      tpu.enqueue_dma source(%dma_start3A_14 : memref<632x128xf32, #tpu.memory_space<vmem_shared>>) target(%dma_start3A_12 : memref<632x128xf32, #tpu.memory_space<hbm>>) target_semaphore(%run_scoped3A : memref<!tpu.dma_semaphore, #tpu.memory_space<semaphore_mem>>)
      %dma_wait3A = arith.constant 0 : i32
      %dma_wait3A_15 = tpu.memref_slice %arg6[%arg0, %multiple_of3A, %dma_wait3A] : memref<2x10000x128xf32, #tpu.memory_space<hbm>> -> memref<1x632x128xf32, #tpu.memory_space<hbm>>
      %dma_wait3A_16 = tpu.memref_squeeze %dma_wait3A_15 : memref<1x632x128xf32, #tpu.memory_space<hbm>> -> memref<632x128xf32, #tpu.memory_space<hbm>>
      %dma_wait3A_17 = arith.constant 0 : i32
      %dma_wait3A_18 = tpu.memref_slice %arg7[%multiple_of3A, %dma_wait3A_17] : memref<10016x128xf32, #tpu.memory_space<vmem_shared>> -> memref<632x128xf32, #tpu.memory_space<vmem_shared>>
      tpu.wait_dma2 semaphore(%run_scoped3A : memref<!tpu.dma_semaphore, #tpu.memory_space<semaphore_mem>>) src(%dma_wait3A_18 : memref<632x128xf32, #tpu.memory_space<vmem_shared>>) dst(%dma_wait3A_16 : memref<632x128xf32, #tpu.memory_space<hbm>>)
      tpu.yield
    }) : () -> ()
    return
  }
}

#map = affine_map<(d0, d1) -> (0, 0)>
#map1 = affine_map<(d0, d1) -> (0)>
#map2 = affine_map<(d0, d1) -> (0, 0, 0)>
module attributes {stable_mosaic.version = 14 : i64} {
  func.func @_scatter_body(%arg0: i32, %arg1: i32, %arg2: memref<10000x128xf32, #tpu.memory_space<hbm>>, %arg3: memref<327680xi32, #tpu.memory_space<hbm>>, %arg4: memref<327680xi32, #tpu.memory_space<hbm>>, %arg5: memref<10000x128xf32, #tpu.memory_space<hbm>>, %arg6: memref<2x10000x128xf32, #tpu.memory_space<hbm>>, %arg7: memref<10016x128xf32, #tpu.memory_space<vmem_shared>>, %arg8: memref<256xi32, #tpu.memory_space<vmem>>, %arg9: memref<256xi32, #tpu.memory_space<vmem>>, %arg10: memref<256x128xf32, #tpu.memory_space<vmem>>, %arg11: memref<!tpu.dma_semaphore, #tpu.memory_space<semaphore_mem>>) attributes {dimension_semantics = [#tpu.dimension_semantics<core_parallel>, #tpu.dimension_semantics<subcore_parallel>], iteration_bounds = array<i64: 2, 16>, scalar_prefetch = 0 : i64, scratch_operands = 5 : i64, tpu.core_type = #tpu.core_type<sc_vector_subcore>, window_params = [{transform_indices = #map}, {transform_indices = #map1}, {transform_indices = #map1}, {transform_indices = #map}, {transform_indices = #map2}]} {
    %mul3A = arith.constant 632 : i32
    %mul3A_0 = arith.muli %arg1, %mul3A : i32
    %min3A = arith.constant 9368 : i32
    %min3A_1 = arith.minsi %mul3A_0, %min3A : i32
    %multiple_of3A = tpu.assume_multiple %min3A_1, 8 : i32
    %mul3A_2 = arith.constant 16 : i32
    %mul3A_3 = arith.muli %arg0, %mul3A_2 : i32
    %add3A = arith.addi %mul3A_3, %arg1 : i32
    %mul3A_4 = arith.constant 10240 : i32
    %mul3A_5 = arith.muli %add3A, %mul3A_4 : i32
    "tpu.region"() ({
      %run_scoped3A = tpu.sem_alloc : memref<!tpu.dma_semaphore, #tpu.memory_space<semaphore_mem>>
      %dma_start3A = arith.constant 0 : i32
      %dma_start3A_11 = tpu.memref_slice %arg7[%multiple_of3A, %dma_start3A] : memref<10016x128xf32, #tpu.memory_space<vmem_shared>> -> memref<632x128xf32, #tpu.memory_space<vmem_shared>>
      %dma_start3A_12 = arith.constant 0 : i32
      %dma_start3A_13 = tpu.memref_slice %arg5[%multiple_of3A, %dma_start3A_12] : memref<10000x128xf32, #tpu.memory_space<hbm>> -> memref<632x128xf32, #tpu.memory_space<hbm>>
      tpu.enqueue_dma source(%dma_start3A_13 : memref<632x128xf32, #tpu.memory_space<hbm>>) target(%dma_start3A_11 : memref<632x128xf32, #tpu.memory_space<vmem_shared>>) target_semaphore(%run_scoped3A : memref<!tpu.dma_semaphore, #tpu.memory_space<semaphore_mem>>)
      %dma_wait3A = arith.constant 0 : i32
      %dma_wait3A_14 = tpu.memref_slice %arg7[%multiple_of3A, %dma_wait3A] : memref<10016x128xf32, #tpu.memory_space<vmem_shared>> -> memref<632x128xf32, #tpu.memory_space<vmem_shared>>
      %dma_wait3A_15 = arith.constant 0 : i32
      %dma_wait3A_16 = tpu.memref_slice %arg5[%multiple_of3A, %dma_wait3A_15] : memref<10000x128xf32, #tpu.memory_space<hbm>> -> memref<632x128xf32, #tpu.memory_space<hbm>>
      tpu.wait_dma2 semaphore(%run_scoped3A : memref<!tpu.dma_semaphore, #tpu.memory_space<semaphore_mem>>) src(%dma_wait3A_16 : memref<632x128xf32, #tpu.memory_space<hbm>>) dst(%dma_wait3A_14 : memref<632x128xf32, #tpu.memory_space<vmem_shared>>)
      tpu.yield
    }) : () -> ()
    %barrier3A = arith.constant 0 : index
    tpu.barrier barrier_id(%barrier3A)
    %scan3A = arith.constant 0 : i32
    %scan3A_6 = arith.constant 40 : i32
    %scan3A_7 = arith.addi %scan3A, %scan3A_6 : i32
    %scan3A_8 = arith.constant 1 : i32
    scf.for %scan3A_11 = %scan3A to %scan3A_7 step %scan3A_8  : i32 {
      %mul3A_12 = arith.constant 1 : i32
      %mul3A_13 = arith.muli %scan3A_11, %mul3A_12 : i32
      %add3A_14 = arith.constant 0 : i32
      %add3A_15 = arith.addi %add3A_14, %mul3A_13 : i32
      %mul3A_16 = arith.constant 256 : i32
      %mul3A_17 = arith.muli %add3A_15, %mul3A_16 : i32
      %add3A_18 = arith.addi %mul3A_5, %mul3A_17 : i32
      "tpu.region"() ({
        %run_scoped3A = tpu.sem_alloc : memref<!tpu.dma_semaphore, #tpu.memory_space<semaphore_mem>>
        %dma_start3A_26 = tpu.memref_slice %arg3[%add3A_18] : memref<327680xi32, #tpu.memory_space<hbm>> -> memref<256xi32, #tpu.memory_space<hbm>>
        %dma_start3A_27 = tpu.memref_slice %arg3[%add3A_18] : memref<327680xi32, #tpu.memory_space<hbm>> -> memref<256xi32, #tpu.memory_space<hbm>>
        tpu.enqueue_dma source(%dma_start3A_27 : memref<256xi32, #tpu.memory_space<hbm>>) target(%arg8 : memref<256xi32, #tpu.memory_space<vmem>>) target_semaphore(%run_scoped3A : memref<!tpu.dma_semaphore, #tpu.memory_space<semaphore_mem>>)
        %dma_wait3A_28 = tpu.memref_slice %arg3[%add3A_18] : memref<327680xi32, #tpu.memory_space<hbm>> -> memref<256xi32, #tpu.memory_space<hbm>>
        %dma_wait3A_29 = tpu.memref_slice %arg3[%add3A_18] : memref<327680xi32, #tpu.memory_space<hbm>> -> memref<256xi32, #tpu.memory_space<hbm>>
        tpu.wait_dma2 semaphore(%run_scoped3A : memref<!tpu.dma_semaphore, #tpu.memory_space<semaphore_mem>>) src(%dma_wait3A_29 : memref<256xi32, #tpu.memory_space<hbm>>) dst(%arg8 : memref<256xi32, #tpu.memory_space<vmem>>)
        tpu.yield
      }) : () -> ()
      %mul3A_19 = arith.constant 256 : i32
      %mul3A_20 = arith.muli %add3A_15, %mul3A_19 : i32
      %add3A_21 = arith.addi %mul3A_5, %mul3A_20 : i32
      "tpu.region"() ({
        %run_scoped3A = tpu.sem_alloc : memref<!tpu.dma_semaphore, #tpu.memory_space<semaphore_mem>>
        %dma_start3A_26 = tpu.memref_slice %arg4[%add3A_21] : memref<327680xi32, #tpu.memory_space<hbm>> -> memref<256xi32, #tpu.memory_space<hbm>>
        %dma_start3A_27 = tpu.memref_slice %arg4[%add3A_21] : memref<327680xi32, #tpu.memory_space<hbm>> -> memref<256xi32, #tpu.memory_space<hbm>>
        tpu.enqueue_dma source(%dma_start3A_27 : memref<256xi32, #tpu.memory_space<hbm>>) target(%arg9 : memref<256xi32, #tpu.memory_space<vmem>>) target_semaphore(%run_scoped3A : memref<!tpu.dma_semaphore, #tpu.memory_space<semaphore_mem>>)
        %dma_wait3A_28 = tpu.memref_slice %arg4[%add3A_21] : memref<327680xi32, #tpu.memory_space<hbm>> -> memref<256xi32, #tpu.memory_space<hbm>>
        %dma_wait3A_29 = tpu.memref_slice %arg4[%add3A_21] : memref<327680xi32, #tpu.memory_space<hbm>> -> memref<256xi32, #tpu.memory_space<hbm>>
        tpu.wait_dma2 semaphore(%run_scoped3A : memref<!tpu.dma_semaphore, #tpu.memory_space<semaphore_mem>>) src(%dma_wait3A_29 : memref<256xi32, #tpu.memory_space<hbm>>) dst(%arg9 : memref<256xi32, #tpu.memory_space<vmem>>)
        tpu.yield
      }) : () -> ()
      %dma_start3A = arith.constant 0 : i32
      %dma_start3A_22 = arith.constant 0 : i32
      %dma_start3A_23 = tpu.memref_slice %arg2[%dma_start3A, %dma_start3A_22] : memref<10000x128xf32, #tpu.memory_space<hbm>> -> memref<10000x128xf32, #tpu.memory_space<hbm>>
      tpu.enqueue_indirect_dma source(%dma_start3A_23 : memref<10000x128xf32, #tpu.memory_space<hbm>>) target(%arg10 : memref<256x128xf32, #tpu.memory_space<vmem>>) offsets(%arg8 : memref<256xi32, #tpu.memory_space<vmem>>) semaphore(%arg11 : memref<!tpu.dma_semaphore, #tpu.memory_space<semaphore_mem>>)
      %dma_wait3A = arith.constant 0 : i32
      %dma_wait3A_24 = arith.constant 0 : i32
      %dma_wait3A_25 = tpu.memref_slice %arg2[%dma_wait3A, %dma_wait3A_24] : memref<10000x128xf32, #tpu.memory_space<hbm>> -> memref<10000x128xf32, #tpu.memory_space<hbm>>
      tpu.wait_indirect_dma semaphore(%arg11 : memref<!tpu.dma_semaphore, #tpu.memory_space<semaphore_mem>>) src(%dma_wait3A_25 : memref<10000x128xf32, #tpu.memory_space<hbm>>) dst(%arg10 : memref<256x128xf32, #tpu.memory_space<vmem>>)
      "tpu.region"() ({
        %run_scoped3A = tpu.sem_alloc : memref<!tpu.dma_semaphore, #tpu.memory_space<semaphore_mem>>
        %dma_start3A_26 = arith.constant 0 : i32
        %dma_start3A_27 = arith.constant 0 : i32
        %dma_start3A_28 = tpu.memref_slice %arg7[%dma_start3A_26, %dma_start3A_27] : memref<10016x128xf32, #tpu.memory_space<vmem_shared>> -> memref<10016x128xf32, #tpu.memory_space<vmem_shared>>
        tpu.enqueue_indirect_dma source(%arg10 : memref<256x128xf32, #tpu.memory_space<vmem>>) target(%dma_start3A_28 : memref<10016x128xf32, #tpu.memory_space<vmem_shared>>) offsets(%arg9 : memref<256xi32, #tpu.memory_space<vmem>>) semaphore(%run_scoped3A : memref<!tpu.dma_semaphore, #tpu.memory_space<semaphore_mem>>) {add = true}
        %dma_wait3A_29 = arith.constant 0 : i32
        %dma_wait3A_30 = arith.constant 0 : i32
        %dma_wait3A_31 = tpu.memref_slice %arg7[%dma_wait3A_29, %dma_wait3A_30] : memref<10016x128xf32, #tpu.memory_space<vmem_shared>> -> memref<10016x128xf32, #tpu.memory_space<vmem_shared>>
        tpu.wait_indirect_dma semaphore(%run_scoped3A : memref<!tpu.dma_semaphore, #tpu.memory_space<semaphore_mem>>) src(%arg10 : memref<256x128xf32, #tpu.memory_space<vmem>>) dst(%dma_wait3A_31 : memref<10016x128xf32, #tpu.memory_space<vmem_shared>>)
        tpu.yield
      }) : () -> ()
    }
    %scan3A_9 = arith.constant 40 : i32
    %barrier3A_10 = arith.constant 0 : index
    tpu.barrier barrier_id(%barrier3A_10)
    "tpu.region"() ({
      %run_scoped3A = tpu.sem_alloc : memref<!tpu.dma_semaphore, #tpu.memory_space<semaphore_mem>>
      %dma_start3A = arith.constant 0 : i32
      %dma_start3A_11 = tpu.memref_slice %arg6[%arg0, %multiple_of3A, %dma_start3A] : memref<2x10000x128xf32, #tpu.memory_space<hbm>> -> memref<1x632x128xf32, #tpu.memory_space<hbm>>
      %dma_start3A_12 = tpu.memref_squeeze %dma_start3A_11 : memref<1x632x128xf32, #tpu.memory_space<hbm>> -> memref<632x128xf32, #tpu.memory_space<hbm>>
      %dma_start3A_13 = arith.constant 0 : i32
      %dma_start3A_14 = tpu.memref_slice %arg7[%multiple_of3A, %dma_start3A_13] : memref<10016x128xf32, #tpu.memory_space<vmem_shared>> -> memref<632x128xf32, #tpu.memory_space<vmem_shared>>
      tpu.enqueue_dma source(%dma_start3A_14 : memref<632x128xf32, #tpu.memory_space<vmem_shared>>) target(%dma_start3A_12 : memref<632x128xf32, #tpu.memory_space<hbm>>) target_semaphore(%run_scoped3A : memref<!tpu.dma_semaphore, #tpu.memory_space<semaphore_mem>>)
      %dma_wait3A = arith.constant 0 : i32
      %dma_wait3A_15 = tpu.memref_slice %arg6[%arg0, %multiple_of3A, %dma_wait3A] : memref<2x10000x128xf32, #tpu.memory_space<hbm>> -> memref<1x632x128xf32, #tpu.memory_space<hbm>>
      %dma_wait3A_16 = tpu.memref_squeeze %dma_wait3A_15 : memref<1x632x128xf32, #tpu.memory_space<hbm>> -> memref<632x128xf32, #tpu.memory_space<hbm>>
      %dma_wait3A_17 = arith.constant 0 : i32
      %dma_wait3A_18 = tpu.memref_slice %arg7[%multiple_of3A, %dma_wait3A_17] : memref<10016x128xf32, #tpu.memory_space<vmem_shared>> -> memref<632x128xf32, #tpu.memory_space<vmem_shared>>
      tpu.wait_dma2 semaphore(%run_scoped3A : memref<!tpu.dma_semaphore, #tpu.memory_space<semaphore_mem>>) src(%dma_wait3A_18 : memref<632x128xf32, #tpu.memory_space<vmem_shared>>) dst(%dma_wait3A_16 : memref<632x128xf32, #tpu.memory_space<hbm>>)
      tpu.yield
    }) : () -> ()
    return
  }
}

module attributes {stable_mosaic.version = 14 : i64} {
  func.func @_mm_body(%arg0: i32, %arg1: memref<1000x128xf32, #tpu.memory_space<vmem>>, %arg2: memref<128x128xf32, #tpu.memory_space<vmem>>, %arg3: memref<1000x128xf32, #tpu.memory_space<vmem>>) attributes {dimension_semantics = [#tpu.dimension_semantics<arbitrary>], iteration_bounds = array<i64: 10>, scalar_prefetch = 0 : i64, scratch_operands = 0 : i64, tpu.core_type = #tpu.core_type<tc>, window_params = [{transform_indices = @transform_0, window_bounds = array<i64: 1000, 128>}, {pipeline_mode = #tpu.pipeline_mode<synchronous>, transform_indices = @transform_1, window_bounds = array<i64: 128, 128>}, {transform_indices = @transform_2, window_bounds = array<i64: 1000, 128>}]} {
    %get3A = arith.constant 0 : index
    %get3A_0 = arith.constant 0 : index
    %get3A_1 = vector.load %arg1[%get3A, %get3A_0] : memref<1000x128xf32, #tpu.memory_space<vmem>>, vector<1000x128xf32>
    %get3A_2 = arith.constant 0 : index
    %get3A_3 = arith.constant 0 : index
    %get3A_4 = vector.load %arg2[%get3A_2, %get3A_3] : memref<128x128xf32, #tpu.memory_space<vmem>>, vector<128x128xf32>
    %dot_general3A = arith.constant dense<0.000000e+00> : vector<1000x128xf32>
    %dot_general3A_5 = tpu.matmul %get3A_1, %get3A_4, %dot_general3A {dimension_numbers = #tpu.dot_dimension_numbers<[1], [0], [0], [1], [0, 0, 1, 1], [], []>, transpose_lhs_hint = false} : vector<1000x128xf32>, vector<128x128xf32>, vector<1000x128xf32> -> vector<1000x128xf32>
    %swap3A = arith.constant 0 : index
    %swap3A_6 = arith.constant 0 : index
    %swap3A_7 = vector.load %arg3[%swap3A, %swap3A_6] : memref<1000x128xf32, #tpu.memory_space<vmem>>, vector<1000x128xf32>
    tpu.vector_store %arg3[%swap3A, %swap3A_6], %dot_general3A_5 {strides = array<i32>} : memref<1000x128xf32, #tpu.memory_space<vmem>>, vector<1000x128xf32>,
    return
  }
  func.func @transform_0(%arg0: i32) -> (i32, i32) {
    %c0_i32 = arith.constant 0 : i32
    %c0_i32_0 = arith.constant 0 : i32
    return %arg0, %c0_i32 : i32, i32
  }
  func.func @transform_1(%arg0: i32) -> (i32, i32) {
    %c0_i32 = arith.constant 0 : i32
    %c0_i32_0 = arith.constant 0 : i32
    %c0_i32_1 = arith.constant 0 : i32
    return %c0_i32, %c0_i32_0 : i32, i32
  }
  func.func @transform_2(%arg0: i32) -> (i32, i32) {
    %c0_i32 = arith.constant 0 : i32
    %c0_i32_0 = arith.constant 0 : i32
    return %arg0, %c0_i32 : i32, i32
  }
}

module attributes {stable_mosaic.version = 14 : i64} {
  func.func @_dis_y_body(%arg0: i32, %arg1: memref<2x1000x16xf32, #tpu.memory_space<vmem>>, %arg2: memref<1000x128xf32, #tpu.memory_space<vmem>>, %arg3: memref<1000x16xf32, #tpu.memory_space<vmem>>, %arg4: memref<1000x128xf32, #tpu.memory_space<vmem>>) attributes {dimension_semantics = [#tpu.dimension_semantics<arbitrary>], iteration_bounds = array<i64: 10>, scalar_prefetch = 0 : i64, scratch_operands = 0 : i64, tpu.core_type = #tpu.core_type<tc>, window_params = [{transform_indices = @transform_0, window_bounds = array<i64: 2, 1000, 16>}, {transform_indices = @transform_1, window_bounds = array<i64: 1000, 128>}, {transform_indices = @transform_2, window_bounds = array<i64: 1000, 16>}, {transform_indices = @transform_3, window_bounds = array<i64: 1000, 128>}]} {
    %get3A = arith.constant 0 : index
    %get3A_0 = arith.constant 0 : index
    %get3A_1 = arith.constant 0 : index
    %get3A_2 = vector.load %arg1[%get3A, %get3A_0, %get3A_1] : memref<2x1000x16xf32, #tpu.memory_space<vmem>>, vector<1x1000x16xf32>
    %get3A_3 = vector.shape_cast %get3A_2 : vector<1x1000x16xf32> to vector<1000x16xf32>
    %get3A_4 = arith.constant 1 : index
    %get3A_5 = arith.constant 0 : index
    %get3A_6 = arith.constant 0 : index
    %get3A_7 = vector.load %arg1[%get3A_4, %get3A_5, %get3A_6] : memref<2x1000x16xf32, #tpu.memory_space<vmem>>, vector<1x1000x16xf32>
    %get3A_8 = vector.shape_cast %get3A_7 : vector<1x1000x16xf32> to vector<1000x16xf32>
    %add3A = arith.addf %get3A_3, %get3A_8 : vector<1000x16xf32>
    %add3A_9 = arith.constant 1.000000e+00 : f32
    %add3A_10 = vector.broadcast %add3A_9 : f32 to vector<1000x16xf32>
    %add3A_11 = arith.addf %add3A, %add3A_10 : vector<1000x16xf32>
    %rsqrt3A = math.rsqrt %add3A_11 : vector<1000x16xf32>
    %swap3A = arith.constant 0 : index
    %swap3A_12 = arith.constant 0 : index
    %swap3A_13 = vector.load %arg3[%swap3A, %swap3A_12] : memref<1000x16xf32, #tpu.memory_space<vmem>>, vector<1000x16xf32>
    tpu.vector_store %arg3[%swap3A, %swap3A_12], %rsqrt3A {strides = array<i32>} : memref<1000x16xf32, #tpu.memory_space<vmem>>, vector<1000x16xf32>,
    %get3A_14 = arith.constant 0 : index
    %get3A_15 = arith.constant 0 : index
    %get3A_16 = vector.load %arg2[%get3A_14, %get3A_15] : memref<1000x128xf32, #tpu.memory_space<vmem>>, vector<1000x128xf32>
    %slice3A = vector.extract_strided_slice %rsqrt3A {offsets = [0, 0], sizes = [1000, 1], strides = [1, 1]} : vector<1000x16xf32> to vector<1000x1xf32>
    %mul3A = vector.broadcast %slice3A : vector<1000x1xf32> to vector<1000x128xf32>
    %mul3A_17 = arith.mulf %get3A_16, %mul3A : vector<1000x128xf32>
    %swap3A_18 = arith.constant 0 : index
    %swap3A_19 = arith.constant 0 : index
    %swap3A_20 = vector.load %arg4[%swap3A_18, %swap3A_19] : memref<1000x128xf32, #tpu.memory_space<vmem>>, vector<1000x128xf32>
    tpu.vector_store %arg4[%swap3A_18, %swap3A_19], %mul3A_17 {strides = array<i32>} : memref<1000x128xf32, #tpu.memory_space<vmem>>, vector<1000x128xf32>,
    return
  }
  func.func @transform_0(%arg0: i32) -> (i32, i32, i32) {
    %c0_i32 = arith.constant 0 : i32
    %c0_i32_0 = arith.constant 0 : i32
    %c0_i32_1 = arith.constant 0 : i32
    return %c0_i32, %arg0, %c0_i32_0 : i32, i32, i32
  }
  func.func @transform_1(%arg0: i32) -> (i32, i32) {
    %c0_i32 = arith.constant 0 : i32
    %c0_i32_0 = arith.constant 0 : i32
    return %arg0, %c0_i32 : i32, i32
  }
  func.func @transform_2(%arg0: i32) -> (i32, i32) {
    %c0_i32 = arith.constant 0 : i32
    %c0_i32_0 = arith.constant 0 : i32
    return %arg0, %c0_i32 : i32, i32
  }
  func.func @transform_3(%arg0: i32) -> (i32, i32) {
    %c0_i32 = arith.constant 0 : i32
    %c0_i32_0 = arith.constant 0 : i32
    return %arg0, %c0_i32 : i32, i32
  }
}

module attributes {stable_mosaic.version = 14 : i64} {
  func.func @_final_body(%arg0: i32, %arg1: memref<2x1000x128xf32, #tpu.memory_space<vmem>>, %arg2: memref<1000x128xf32, #tpu.memory_space<vmem>>, %arg3: memref<1000x16xf32, #tpu.memory_space<vmem>>, %arg4: memref<1x128xf32, #tpu.memory_space<vmem>>, %arg5: memref<128x128xf32, #tpu.memory_space<vmem>>, %arg6: memref<1x128xf32, #tpu.memory_space<vmem>>, %arg7: memref<128x16xf32, #tpu.memory_space<vmem>>, %arg8: memref<1x16xf32, #tpu.memory_space<vmem>>, %arg9: memref<1000x16xf32, #tpu.memory_space<vmem>>) attributes {dimension_semantics = [#tpu.dimension_semantics<arbitrary>], iteration_bounds = array<i64: 10>, scalar_prefetch = 0 : i64, scratch_operands = 0 : i64, tpu.core_type = #tpu.core_type<tc>, window_params = [{transform_indices = @transform_0, window_bounds = array<i64: 2, 1000, 128>}, {transform_indices = @transform_1, window_bounds = array<i64: 1000, 128>}, {transform_indices = @transform_2, window_bounds = array<i64: 1000, 16>}, {pipeline_mode = #tpu.pipeline_mode<synchronous>, transform_indices = @transform_3, window_bounds = array<i64: 1, 128>}, {pipeline_mode = #tpu.pipeline_mode<synchronous>, transform_indices = @transform_4, window_bounds = array<i64: 128, 128>}, {pipeline_mode = #tpu.pipeline_mode<synchronous>, transform_indices = @transform_5, window_bounds = array<i64: 1, 128>}, {pipeline_mode = #tpu.pipeline_mode<synchronous>, transform_indices = @transform_6, window_bounds = array<i64: 128, 16>}, {pipeline_mode = #tpu.pipeline_mode<synchronous>, transform_indices = @transform_7, window_bounds = array<i64: 1, 16>}, {transform_indices = @transform_8, window_bounds = array<i64: 1000, 16>}]} {
    %get3A = arith.constant 0 : index
    %get3A_0 = arith.constant 0 : index
    %get3A_1 = vector.load %arg3[%get3A, %get3A_0] : memref<1000x16xf32, #tpu.memory_space<vmem>>, vector<1000x1xf32>
    %get3A_2 = arith.constant 0 : index
    %get3A_3 = arith.constant 0 : index
    %get3A_4 = arith.constant 0 : index
    %get3A_5 = vector.load %arg1[%get3A_2, %get3A_3, %get3A_4] : memref<2x1000x128xf32, #tpu.memory_space<vmem>>, vector<1x1000x128xf32>
    %get3A_6 = vector.shape_cast %get3A_5 : vector<1x1000x128xf32> to vector<1000x128xf32>
    %get3A_7 = arith.constant 1 : index
    %get3A_8 = arith.constant 0 : index
    %get3A_9 = arith.constant 0 : index
    %get3A_10 = vector.load %arg1[%get3A_7, %get3A_8, %get3A_9] : memref<2x1000x128xf32, #tpu.memory_space<vmem>>, vector<1x1000x128xf32>
    %get3A_11 = vector.shape_cast %get3A_10 : vector<1x1000x128xf32> to vector<1000x128xf32>
    %add3A = arith.addf %get3A_6, %get3A_11 : vector<1000x128xf32>
    %get3A_12 = arith.constant 0 : index
    %get3A_13 = arith.constant 0 : index
    %get3A_14 = vector.load %arg2[%get3A_12, %get3A_13] : memref<1000x128xf32, #tpu.memory_space<vmem>>, vector<1000x128xf32>
    %add3A_15 = arith.addf %add3A, %get3A_14 : vector<1000x128xf32>
    %mul3A = vector.broadcast %get3A_1 : vector<1000x1xf32> to vector<1000x128xf32>
    %mul3A_16 = arith.mulf %add3A_15, %mul3A : vector<1000x128xf32>
    %get3A_17 = arith.constant 0 : index
    %get3A_18 = arith.constant 0 : index
    %get3A_19 = vector.load %arg4[%get3A_17, %get3A_18] : memref<1x128xf32, #tpu.memory_space<vmem>>, vector<1x128xf32>
    %add3A_20 = vector.broadcast %get3A_19 : vector<1x128xf32> to vector<1000x128xf32>
    %add3A_21 = arith.addf %mul3A_16, %add3A_20 : vector<1000x128xf32>
    %max3A = arith.constant 0.000000e+00 : f32
    %max3A_22 = vector.broadcast %max3A : f32 to vector<1000x128xf32>
    %max3A_23 = arith.maximumf %add3A_21, %max3A_22 : vector<1000x128xf32>
    %get3A_24 = arith.constant 0 : index
    %get3A_25 = arith.constant 0 : index
    %get3A_26 = vector.load %arg5[%get3A_24, %get3A_25] : memref<128x128xf32, #tpu.memory_space<vmem>>, vector<128x128xf32>
    %dot_general3A = arith.constant dense<0.000000e+00> : vector<1000x128xf32>
    %dot_general3A_27 = tpu.matmul %max3A_23, %get3A_26, %dot_general3A {dimension_numbers = #tpu.dot_dimension_numbers<[1], [0], [0], [1], [0, 0, 1, 1], [], []>, transpose_lhs_hint = false} : vector<1000x128xf32>, vector<128x128xf32>, vector<1000x128xf32> -> vector<1000x128xf32>
    %get3A_28 = arith.constant 0 : index
    %get3A_29 = arith.constant 0 : index
    %get3A_30 = vector.load %arg6[%get3A_28, %get3A_29] : memref<1x128xf32, #tpu.memory_space<vmem>>, vector<1x128xf32>
    %add3A_31 = vector.broadcast %get3A_30 : vector<1x128xf32> to vector<1000x128xf32>
    %add3A_32 = arith.addf %dot_general3A_27, %add3A_31 : vector<1000x128xf32>
    %max3A_33 = arith.constant 0.000000e+00 : f32
    %max3A_34 = vector.broadcast %max3A_33 : f32 to vector<1000x128xf32>
    %max3A_35 = arith.maximumf %add3A_32, %max3A_34 : vector<1000x128xf32>
    %get3A_36 = arith.constant 0 : index
    %get3A_37 = arith.constant 0 : index
    %get3A_38 = vector.load %arg7[%get3A_36, %get3A_37] : memref<128x16xf32, #tpu.memory_space<vmem>>, vector<128x16xf32>
    %dot_general3A_39 = arith.constant dense<0.000000e+00> : vector<1000x16xf32>
    %dot_general3A_40 = tpu.matmul %max3A_35, %get3A_38, %dot_general3A_39 {dimension_numbers = #tpu.dot_dimension_numbers<[1], [0], [0], [1], [0, 0, 1, 1], [], []>, transpose_lhs_hint = false} : vector<1000x128xf32>, vector<128x16xf32>, vector<1000x16xf32> -> vector<1000x16xf32>
    %get3A_41 = arith.constant 0 : index
    %get3A_42 = arith.constant 0 : index
    %get3A_43 = vector.load %arg8[%get3A_41, %get3A_42] : memref<1x16xf32, #tpu.memory_space<vmem>>, vector<1x16xf32>
    %add3A_44 = vector.broadcast %get3A_43 : vector<1x16xf32> to vector<1000x16xf32>
    %add3A_45 = arith.addf %dot_general3A_40, %add3A_44 : vector<1000x16xf32>
    %reduce_max3A = arith.constant dense<0xFF800000> : vector<1000xf32>
    %reduce_max3A_46 = vector.multi_reduction <maximumf>, %add3A_45, %reduce_max3A [1] : vector<1000x16xf32> to vector<1000xf32>
    %broadcast_in_dim3A = vector.shape_cast %reduce_max3A_46 : vector<1000xf32> to vector<1000x1xf32>
    %sub3A = vector.broadcast %broadcast_in_dim3A : vector<1000x1xf32> to vector<1000x16xf32>
    %sub3A_47 = arith.subf %add3A_45, %sub3A : vector<1000x16xf32>
    %sub3A_48 = vector.broadcast %broadcast_in_dim3A : vector<1000x1xf32> to vector<1000x16xf32>
    %sub3A_49 = arith.subf %add3A_45, %sub3A_48 : vector<1000x16xf32>
    %exp3A = math.exp %sub3A_49 : vector<1000x16xf32>
    %reduce_sum3A = arith.constant dense<0.000000e+00> : vector<1000xf32>
    %reduce_sum3A_50 = vector.multi_reduction <add>, %exp3A, %reduce_sum3A [1] : vector<1000x16xf32> to vector<1000xf32>
    %broadcast_in_dim3A_51 = vector.shape_cast %reduce_sum3A_50 : vector<1000xf32> to vector<1000x1xf32>
    %log3A = math.log %broadcast_in_dim3A_51 : vector<1000x1xf32>
    %sub3A_52 = vector.broadcast %log3A : vector<1000x1xf32> to vector<1000x16xf32>
    %sub3A_53 = arith.subf %sub3A_47, %sub3A_52 : vector<1000x16xf32>
    %swap3A = arith.constant 0 : index
    %swap3A_54 = arith.constant 0 : index
    %swap3A_55 = vector.load %arg9[%swap3A, %swap3A_54] : memref<1000x16xf32, #tpu.memory_space<vmem>>, vector<1000x16xf32>
    tpu.vector_store %arg9[%swap3A, %swap3A_54], %sub3A_53 {strides = array<i32>} : memref<1000x16xf32, #tpu.memory_space<vmem>>, vector<1000x16xf32>,
    return
  }
  func.func @transform_0(%arg0: i32) -> (i32, i32, i32) {
    %c0_i32 = arith.constant 0 : i32
    %c0_i32_0 = arith.constant 0 : i32
    %c0_i32_1 = arith.constant 0 : i32
    return %c0_i32, %arg0, %c0_i32_0 : i32, i32, i32
  }
  func.func @transform_1(%arg0: i32) -> (i32, i32) {
    %c0_i32 = arith.constant 0 : i32
    %c0_i32_0 = arith.constant 0 : i32
    return %arg0, %c0_i32 : i32, i32
  }
  func.func @transform_2(%arg0: i32) -> (i32, i32) {
    %c0_i32 = arith.constant 0 : i32
    %c0_i32_0 = arith.constant 0 : i32
    return %arg0, %c0_i32 : i32, i32
  }
  func.func @transform_3(%arg0: i32) -> (i32, i32) {
    %c0_i32 = arith.constant 0 : i32
    %c0_i32_0 = arith.constant 0 : i32
    %c0_i32_1 = arith.constant 0 : i32
    return %c0_i32, %c0_i32_0 : i32, i32
  }
  func.func @transform_4(%arg0: i32) -> (i32, i32) {
    %c0_i32 = arith.constant 0 : i32
    %c0_i32_0 = arith.constant 0 : i32
    %c0_i32_1 = arith.constant 0 : i32
    return %c0_i32, %c0_i32_0 : i32, i32
  }
  func.func @transform_5(%arg0: i32) -> (i32, i32) {
    %c0_i32 = arith.constant 0 : i32
    %c0_i32_0 = arith.constant 0 : i32
    %c0_i32_1 = arith.constant 0 : i32
    return %c0_i32, %c0_i32_0 : i32, i32
  }
  func.func @transform_6(%arg0: i32) -> (i32, i32) {
    %c0_i32 = arith.constant 0 : i32
    %c0_i32_0 = arith.constant 0 : i32
    %c0_i32_1 = arith.constant 0 : i32
    return %c0_i32, %c0_i32_0 : i32, i32
  }
  func.func @transform_7(%arg0: i32) -> (i32, i32) {
    %c0_i32 = arith.constant 0 : i32
    %c0_i32_0 = arith.constant 0 : i32
    %c0_i32_1 = arith.constant 0 : i32
    return %c0_i32, %c0_i32_0 : i32, i32
  }
  func.func @transform_8(%arg0: i32) -> (i32, i32) {
    %c0_i32 = arith.constant 0 : i32
    %c0_i32_0 = arith.constant 0 : i32
    return %arg0, %c0_i32 : i32, i32
  }
}

module attributes {stable_mosaic.version = 14 : i64} {
  func.func @_layer_body(%arg0: i32, %arg1: memref<2x1000x128xf32, #tpu.memory_space<vmem>>, %arg2: memref<1000x128xf32, #tpu.memory_space<vmem>>, %arg3: memref<1000x16xf32, #tpu.memory_space<vmem>>, %arg4: memref<1x128xf32, #tpu.memory_space<vmem>>, %arg5: memref<128x128xf32, #tpu.memory_space<vmem>>, %arg6: memref<1000x128xf32, #tpu.memory_space<vmem>>) attributes {dimension_semantics = [#tpu.dimension_semantics<arbitrary>], iteration_bounds = array<i64: 10>, scalar_prefetch = 0 : i64, scratch_operands = 0 : i64, tpu.core_type = #tpu.core_type<tc>, window_params = [{transform_indices = @transform_0, window_bounds = array<i64: 2, 1000, 128>}, {transform_indices = @transform_1, window_bounds = array<i64: 1000, 128>}, {transform_indices = @transform_2, window_bounds = array<i64: 1000, 16>}, {pipeline_mode = #tpu.pipeline_mode<synchronous>, transform_indices = @transform_3, window_bounds = array<i64: 1, 128>}, {pipeline_mode = #tpu.pipeline_mode<synchronous>, transform_indices = @transform_4, window_bounds = array<i64: 128, 128>}, {transform_indices = @transform_5, window_bounds = array<i64: 1000, 128>}]} {
    %get3A = arith.constant 0 : index
    %get3A_0 = arith.constant 0 : index
    %get3A_1 = vector.load %arg3[%get3A, %get3A_0] : memref<1000x16xf32, #tpu.memory_space<vmem>>, vector<1000x1xf32>
    %get3A_2 = arith.constant 0 : index
    %get3A_3 = arith.constant 0 : index
    %get3A_4 = arith.constant 0 : index
    %get3A_5 = vector.load %arg1[%get3A_2, %get3A_3, %get3A_4] : memref<2x1000x128xf32, #tpu.memory_space<vmem>>, vector<1x1000x128xf32>
    %get3A_6 = vector.shape_cast %get3A_5 : vector<1x1000x128xf32> to vector<1000x128xf32>
    %get3A_7 = arith.constant 1 : index
    %get3A_8 = arith.constant 0 : index
    %get3A_9 = arith.constant 0 : index
    %get3A_10 = vector.load %arg1[%get3A_7, %get3A_8, %get3A_9] : memref<2x1000x128xf32, #tpu.memory_space<vmem>>, vector<1x1000x128xf32>
    %get3A_11 = vector.shape_cast %get3A_10 : vector<1x1000x128xf32> to vector<1000x128xf32>
    %add3A = arith.addf %get3A_6, %get3A_11 : vector<1000x128xf32>
    %get3A_12 = arith.constant 0 : index
    %get3A_13 = arith.constant 0 : index
    %get3A_14 = vector.load %arg2[%get3A_12, %get3A_13] : memref<1000x128xf32, #tpu.memory_space<vmem>>, vector<1000x128xf32>
    %add3A_15 = arith.addf %add3A, %get3A_14 : vector<1000x128xf32>
    %mul3A = vector.broadcast %get3A_1 : vector<1000x1xf32> to vector<1000x128xf32>
    %mul3A_16 = arith.mulf %add3A_15, %mul3A : vector<1000x128xf32>
    %get3A_17 = arith.constant 0 : index
    %get3A_18 = arith.constant 0 : index
    %get3A_19 = vector.load %arg4[%get3A_17, %get3A_18] : memref<1x128xf32, #tpu.memory_space<vmem>>, vector<1x128xf32>
    %add3A_20 = vector.broadcast %get3A_19 : vector<1x128xf32> to vector<1000x128xf32>
    %add3A_21 = arith.addf %mul3A_16, %add3A_20 : vector<1000x128xf32>
    %max3A = arith.constant 0.000000e+00 : f32
    %max3A_22 = vector.broadcast %max3A : f32 to vector<1000x128xf32>
    %max3A_23 = arith.maximumf %add3A_21, %max3A_22 : vector<1000x128xf32>
    %get3A_24 = arith.constant 0 : index
    %get3A_25 = arith.constant 0 : index
    %get3A_26 = vector.load %arg5[%get3A_24, %get3A_25] : memref<128x128xf32, #tpu.memory_space<vmem>>, vector<128x128xf32>
    %dot_general3A = arith.constant dense<0.000000e+00> : vector<1000x128xf32>
    %dot_general3A_27 = tpu.matmul %max3A_23, %get3A_26, %dot_general3A {dimension_numbers = #tpu.dot_dimension_numbers<[1], [0], [0], [1], [0, 0, 1, 1], [], []>, transpose_lhs_hint = false} : vector<1000x128xf32>, vector<128x128xf32>, vector<1000x128xf32> -> vector<1000x128xf32>
    %mul3A_28 = vector.broadcast %get3A_1 : vector<1000x1xf32> to vector<1000x128xf32>
    %mul3A_29 = arith.mulf %dot_general3A_27, %mul3A_28 : vector<1000x128xf32>
    %swap3A = arith.constant 0 : index
    %swap3A_30 = arith.constant 0 : index
    %swap3A_31 = vector.load %arg6[%swap3A, %swap3A_30] : memref<1000x128xf32, #tpu.memory_space<vmem>>, vector<1000x128xf32>
    tpu.vector_store %arg6[%swap3A, %swap3A_30], %mul3A_29 {strides = array<i32>} : memref<1000x128xf32, #tpu.memory_space<vmem>>, vector<1000x128xf32>,
    return
  }
  func.func @transform_0(%arg0: i32) -> (i32, i32, i32) {
    %c0_i32 = arith.constant 0 : i32
    %c0_i32_0 = arith.constant 0 : i32
    %c0_i32_1 = arith.constant 0 : i32
    return %c0_i32, %arg0, %c0_i32_0 : i32, i32, i32
  }
  func.func @transform_1(%arg0: i32) -> (i32, i32) {
    %c0_i32 = arith.constant 0 : i32
    %c0_i32_0 = arith.constant 0 : i32
    return %arg0, %c0_i32 : i32, i32
  }
  func.func @transform_2(%arg0: i32) -> (i32, i32) {
    %c0_i32 = arith.constant 0 : i32
    %c0_i32_0 = arith.constant 0 : i32
    return %arg0, %c0_i32 : i32, i32
  }
  func.func @transform_3(%arg0: i32) -> (i32, i32) {
    %c0_i32 = arith.constant 0 : i32
    %c0_i32_0 = arith.constant 0 : i32
    %c0_i32_1 = arith.constant 0 : i32
    return %c0_i32, %c0_i32_0 : i32, i32
  }
  func.func @transform_4(%arg0: i32) -> (i32, i32) {
    %c0_i32 = arith.constant 0 : i32
    %c0_i32_0 = arith.constant 0 : i32
    %c0_i32_1 = arith.constant 0 : i32
    return %c0_i32, %c0_i32_0 : i32, i32
  }
  func.func @transform_5(%arg0: i32) -> (i32, i32) {
    %c0_i32 = arith.constant 0 : i32
    %c0_i32_0 = arith.constant 0 : i32
    return %arg0, %c0_i32 : i32, i32
  }
}

</mosaic_0001>

<sc_bundles>
// kernel: kernel.11.cloned.1.call-start
scs
__scs_entry_jumppad:
0x0: {  	(pc) =	sbr.rel $0x88, $3  }
0x1: {  	(tag) =	ssettag $0x0;
	lr =	simm.s32 $0x1  }
0x2: {  	[smem:$0x3F95] =	sst lr;
	_ =	strace $0xD0000000  }
0x3: {  	_ = 	snop  }
0x4: {  	_ = 	snop  }
0x5: {  	_ = 	snop  }
0x6: {  	_ = 	snop  }
0x7: {  	_ = 	snop  }
__scs_overlays_trampoline_lowered:
0x8: {  	[smem:$0x3FA4] =	sst s0  }
0x9: {  	[smem:$0x3FA5] =	sst s1  }
0xa: {  	[smem:$0x3FA6] =	sst s2  }
0xb: {  	[smem:$0x3FA7] =	sst s3  }
0xc: {  	[smem:$0x3FA8] =	sst s4  }
0xd: {  	[smem:$0x3FA9] =	sst s5  }
0xe: {  	[smem:$0x3FAA] =	sst s6  }
0xf: {  	[smem:$0x3FAB] =	sst s7  }
0x10: {  	[smem:$0x3FAC] =	sst s8  }
0x11: {  	[smem:$0x3FAD] =	sst s9;
	s0 =	simm.s32 @!p0 $0x0  }
0x12: {  	s1 =	sld [smem:$0x3F93];
	s0 =	simm.s32 @p0 $0x1  }
0x13: {  	[smem:$0x3FAE] =	sst s0;
	s0 =	simm.s32 @!p1 $0x0  }
0x14: {  	s2 =	sld [smem:$0x3F92];
	s0 =	simm.s32 @p1 $0x1  }
0x15: {  	[smem:$0x3FAF] =	sst s0;
	s0 =	simm.s32 @!p2 $0x0  }
0x16: {  	s3 =	sld [smem:$0x3FDB];
	s0 =	simm.s32 @p2 $0x1  }
0x17: {  	s4 =	simm.s32 $0x1BF5;
	[smem:$0x3FB1] =	sst s0  }
0x18: {  	s0 =	sld [smem:$0x3F94];
	_ =	swait.ge [sflag:s4], $0x0  }
0x19: {  	s7 =	sld [smem:$0x3F95]  }
0x1a: {  	s8 =	sadd.s32 $0xFFFFE003, lr  }
0x1b: {  	s9 =	sadd.s32 $0xFFFFFEF7, lr;
	s5 =	simm.s32 $0xFFFFFFFF;
	p2 =	slt.u32 s8, $0xFFFFF086  }
0x1c: {  	p1 =	slt.u32 s9, $0xF7A;
	s5 =	simm.s32 @!p2 $0x0  }
0x1d: {  	s5 =	simm.s32 @p1 $0x1;
	p0 =	seq.s32 s7, s2  }
0x1e: {  	s7 =	smul.u32 @!p0 $0xF7A, s2;
	p2 =	seq.s32 @!p0 s5, $0x0  }
0x1f: {  	s9 =	smul.u32 $0xF7A, s1;
	s8 =	simm.s32 @!p0 $0x1BF5;
	p2 =	por !p2, p0  }
0x20: {  	[sflag:s8] =	ssyncset.s32 @!p0 $0xFFFFF086;
	s6 =	sadd.s32 @!p0 s3, s7;
	s7 =	simm.s32 @!p0 $0x108  }
0x21: {  	s3 =	sadd.s32 s3, s9;
	s6 =	sadd.s32 @!p0 $0x88, s6;
	s7 =	simm.s32 @p2 $0x1082  }
0x22: {  	[simem:s7], [sflag:s8] =	dma.local @!p0 [hbm:s6], $0xF7A  }
0x23: {  	s9 =	sor.u32 $0xD0000000, s2;
	s6 =	simm.s32 $0x108;
	_ =	swait.ge @!p0 [sflag:s8], $0x0  }
0x24: {  	s3 =	sadd.s32 $0x88, s3;
	s6 =	simm.s32 @!p1 $0x1082;
	[sflag:s4] =	ssyncset.s32 $0xFFFFF086  }
0x25: {  	[simem:s6], [sflag:s4] =	dma.local [hbm:s3], $0xF7A  }
0x26: {  	[smem:$0x3F95] =	sst s1;
	(tag) =	ssettag s2;
	_ =	strace s9  }
0x27: {  	s1 =	sld [smem:$0x3FA5]  }
0x28: {  	s2 =	sld [smem:$0x3FA6]  }
0x29: {  	s4 =	sld [smem:$0x3FA8]  }
0x2a: {  	p0 =	seq.s32 s5, $0x0;
	s5 =	sld [smem:$0x3FA9]  }
0x2b: {  	s6 =	sld [smem:$0x3FAA]  }
0x2c: {  	s7 =	sld [smem:$0x3FAB]  }
0x2d: {  	s3 =	simm.s32 $0x108;
	s8 =	sld [smem:$0x3FAC]  }
0x2e: {  	s3 =	simm.s32 @!p0 $0x1082;
	s9 =	sld [smem:$0x3FAD]  }
0x2f: {  	lr =	sadd.s32 s0, s3;
	s0 =	sld [smem:$0x3FA4]  }
0x30: {  	s3 =	sld [smem:$0x3FA7]  }
0x31: {  	[smem:$0x3FB0] =	sst s10  }
0x32: {  	s10 =	sld [smem:$0x3FAE];
	_ =	sdelay $0x3  }
0x33: {  	p0 =	seq.s32 s10, $0x1;
	s10 =	sld [smem:$0x3FB0];
	_ =	sdelay $0x3  }
0x34: {  	[smem:$0x3FB0] =	sst s10  }
0x35: {  	s10 =	sld [smem:$0x3FAF];
	_ =	sdelay $0x3  }
0x36: {  	p1 =	seq.s32 s10, $0x1;
	s10 =	sld [smem:$0x3FB0];
	_ =	sdelay $0x3  }
0x37: {  	[smem:$0x3FB0] =	sst s10  }
0x38: {  	s10 =	sld [smem:$0x3FB1]  }
0x39: {  	_ = 	snop;
	(pc) =	sbr.ind lr, $3  }
0x3a: {  	_ = 	snop  }
0x3b: {  	_ = 	snop  }
0x3c: {  	p2 =	seq.s32 s10, $0x1;
	s10 =	sld [smem:$0x3FB0]  }
0x3d: {  	_ =	shalt  }
0x3e: {  	_ =	shalt  }
0x3f: {  	_ =	shalt  }
0x40: {  	_ =	shalt  }
0x41: {  	_ =	shalt  }
0x42: {  	_ =	shalt  }
0x43: {  	_ =	shalt  }
0x44: {  	_ =	shalt  }
0x45: {  	_ =	shalt  }
0x46: {  	_ =	shalt  }
0x47: {  	_ =	shalt  }
0x48: {  	_ =	shalt  }
0x49: {  	_ =	shalt  }
0x4a: {  	_ =	shalt  }
0x4b: {  	_ =	shalt  }
0x4c: {  	_ =	shalt  }
0x4d: {  	_ =	shalt  }
0x4e: {  	_ =	shalt  }
0x4f: {  	_ =	shalt  }
0x50: {  	_ =	shalt  }
0x51: {  	_ =	shalt  }
0x52: {  	_ =	shalt  }
0x53: {  	_ =	shalt  }
0x54: {  	_ =	shalt  }
0x55: {  	_ =	shalt  }
0x56: {  	_ =	shalt  }
0x57: {  	_ =	shalt  }
0x58: {  	_ =	shalt  }
0x59: {  	_ =	shalt  }
0x5a: {  	_ =	shalt  }
0x5b: {  	_ =	shalt  }
0x5c: {  	_ =	shalt  }
0x5d: {  	_ =	shalt  }
0x5e: {  	_ =	shalt  }
0x5f: {  	_ =	shalt  }
0x60: {  	_ =	shalt  }
0x61: {  	_ =	shalt  }
0x62: {  	_ =	shalt  }
0x63: {  	_ =	shalt  }
0x64: {  	_ =	shalt  }
0x65: {  	_ =	shalt  }
0x66: {  	_ =	shalt  }
0x67: {  	_ =	shalt  }
0x68: {  	_ =	shalt  }
0x69: {  	_ =	shalt  }
0x6a: {  	_ =	shalt  }
0x6b: {  	_ =	shalt  }
0x6c: {  	_ =	shalt  }
0x6d: {  	_ =	shalt  }
0x6e: {  	_ =	shalt  }
0x6f: {  	_ =	shalt  }
0x70: {  	_ =	shalt  }
0x71: {  	_ =	shalt  }
0x72: {  	_ =	shalt  }
0x73: {  	_ =	shalt  }
0x74: {  	_ =	shalt  }
0x75: {  	_ =	shalt  }
0x76: {  	_ =	shalt  }
0x77: {  	_ =	shalt  }
0x78: {  	_ =	shalt  }
0x79: {  	_ =	shalt  }
0x7a: {  	_ =	shalt  }
0x7b: {  	_ =	shalt  }
0x7c: {  	_ =	shalt  }
0x7d: {  	_ =	shalt  }
0x7e: {  	_ =	shalt  }
0x7f: {  	_ =	shalt  }
0x80: {  	_ =	shalt  }
0x81: {  	_ =	shalt  }
0x82: {  	_ =	shalt  }
0x83: {  	_ =	shalt  }
0x84: {  	_ =	shalt  }
0x85: {  	_ =	shalt  }
0x86: {  	_ =	shalt  }
0x87: {  	_ =	shalt  }
.Lfunc_end0:
.L_simem_size_0:
called_computation_lowered:
.L_overlay_start_0:
0x88: {  	s2 =	sld [smem:$0x3FD9]  }
0x89: {  	s3 =	sld [smem:$0x3FFE];
	_ =	sdelay $0x1  }
0x8a: {  	s1 =	srdreg.scid  }
0x8b: {  	s0 =	sand.u32 $0x1, s1  }
0x8c: {  	s17 =	sshll.u32 s0, $0xA;
	s2 =	sadd.s32 s3, s2  }
0x8d: {  	s2 =	sadd.s32 s2, s17  }
0x8e: {  	[smem:$0x3FBC] =	sst s2  }
0x8f: {  	_ = 	snop  }
0x90: {  	s2 =	sld [smem:$0x3FD0];
	(tm) =	ssettm $0x1  }
0x91: {  	s18 =	sld [smem:$0x3FFB];
	_ =	sdelay $0x3  }
0x92: {  	_ =	strace s18  }
0x93: {  	s3 =	sld [smem:$0x3FFC];
	_ =	sdelay $0x3  }
0x94: {  	_ =	strace s3  }
0x95: {  	s3 =	sld [smem:$0x3FFD];
	_ =	sdelay $0x3  }
0x96: {  	_ =	strace s3  }
0x97: {  	_ =	strace $0x8FFFFFFF  }
0x98: {  	s19 =	sld [smem:$0x3FDB];
	_ =	sdelay $0x1  }
0x99: {  	s4 =	simm.s32 $_scs_section_size  }
0x9a: {  	s5 =	simm.s32 $_size__tile_overlayer_lowered;
	s6 =	simm.s32 $_tile_overlayer_lowered  }
0x9b: {  	s22 =	simm.s32 $0x1BFF;
	s21 =	sshll.u32 s6, $0x1;
	s3 =	sadd.s32 s4, s19  }
0x9c: {  	s7 =	simm.s32 $0x0;
	s20 =	sshll.u32 s5, $0x1;
	s5 =	sadd.s32 s21, s3  }
0x9d: {  	[timem:s7], [sflag:s22] =	dma.local [hbm:s5], s20  }
0x9e: {  	_ =	swait.ge [sflag:s22], s20  }
0x9f: {  	s4 =	ssub.s32 $0x0, s20;
	[sflag:s22] =	ssyncset.done $0x0  }
0xa0: {  	[sflag:s22] =	ssyncadd.s32 s4;
	_ =	sdelay $0x1  }
0xa1: {  	s23 =	simm.s32 $0x1B8B  }
0xa2: {  	_ =	swait.ge [sflag:s23], $0x1  }
0xa3: {  	[sflag:s23] =	ssyncset.done $0x0  }
0xa4: {  	s25 =	simm.s32 $0x1B8E;
	s24 =	sld [smem:$0x3FFE];
	[sflag:s23] =	ssyncadd.s32 $0xFFFFFFFF  }
0xa5: {  	s26 =	simm.s32 $execute0_lowered;
	[smem:$0x3FD2] =	sst s25  }
0xa6: {  	s5 =	sshll.u32 s26, $0x1;
	_ =	strace $0x80000046;
	[dreg:$0x1] =	wrdreg $0xFFFFFFFF  }
0xa7: {  	s28 =	simm.s32 $_size_execute0_lowered;
	s3 =	sadd.s32 s3, s5;
	[dreg:$0x0] =	wrdreg $0x0  }
0xa8: {  	s5 =	sshll.u32 s28, $0x1;
	[dreg:$0x2] =	wrdreg s3  }
0xa9: {  	[dreg:$0x3] =	wrdreg s5  }
0xaa: {  	[dreg:$0x4] =	wrdreg $0xC0  }
0xab: {  	_ =	task [dreg:s7], $0x5FFFF  }
0xac: {  	[dreg:$0x1] =	wrdreg $0xFFFFFFFF  }
0xad: {  	[dreg:$0x0] =	wrdreg $0x60  }
0xae: {  	[dreg:$0x2] =	wrdreg s24  }
0xaf: {  	[dreg:$0x3] =	wrdreg s2  }
0xb0: {  	[dreg:$0x4] =	wrdreg $0x0  }
0xb1: {  	[dreg:$0x5] =	wrdreg $0x9  }
0xb2: {  	_ =	task.clear_ibuf [dreg:s7], $0x6FFFF;
	_ =	strace $0x90000046  }
0xb3: {  	s29 =	simm.s32 $0x9;
	_ =	strace $0x80000048  }
0xb4: {  	_ =	swait.ge [sflag:s29], $0x1  }
0xb5: {  	[sflag:s29] =	ssyncadd.s32 $0xFFFFFFFF  }
0xb6: {  	_ =	strace $0x90000048  }
0xb7: {  	_ =	sfence  }
0xb8: {  	s30 =	sld [smem:$0x0];
	_ =	sdelay $0x2  }
0xb9: {  	s31 =	sshll.u32 s1, $0xD;
	s1 =	sshrl.u32 s1, $0x2  }
0xba: {  	s3 =	sand.u32 $0x4000, s31;
	s1 =	sadd.s32 s1, s30  }
0xbb: {  	s0 =	sor.u32 s3, s0;
	s1 =	sshll.u32 s1, $0x11  }
0xbc: {  	s0 =	sor.u32 s1, s0  }
0xbd: {  	s0 =	sadd.s32 $0x8F2B, s0  }
0xbe: {  	[sflag:s0] =	ssyncadd.remote.s32 $0x1  }
0xbf: {  	_ =	sfence.sel $0xFFFF  }
0xc0: {  	[dreg:$0x0] =	wrdreg $0xFFFFFFFF;
	(pc) =	sbr.abs _section_cstart, $3  }
0xc1: {  	[dreg:$0x1] =	wrdreg $0xFFFFFFFF  }
0xc2: {  	_ =	task.clear_ibuf [dreg:s7], $0x2FFFF;
	_ =	strace $0x9FFFFFFF  }
0xc3: {  	(tm) =	ssettm $0x7FFFFFFF  }
tec
execute0_lowered:
.L_overlay_start_1:
0x0: {  	(tag) =	ssettag $0x1  }
0x1: {  	s5 =	rddreg [dreg:$0x0]  }
0x2: {  	s0 =	srdreg.scid;
	s2 =	rddreg [dreg:$0x1]  }
0x3: {  	s3 =	rddreg [dreg:$0x2];
	s6 =	sand.u32 $0x1, s0  }
0x4: {  	s0 =	stileid.u32;
	s7 =	smul.u32 $0x28000, s6  }
0x5: {  	s1 =	rddreg [dreg:$0x3];
	s4 =	simm.s32 $0x0;
	s8 =	smul.u32 $0x2800, s0  }
0x6: {  	s13 =	simm.s32 $0xA720;
	s14 =	simm.s32 $0x100;
	s9 =	smul.u32 $0x278, s0  }
0x7: {  	s15 =	simm.s32 $0x0;
	[smem:$0x7FF] =	sst s4;
	s29 =	smul.u32 $0x138800, s6  }
0x8: {  	_ =	strace $0x80000047;
	s6 =	ssub.s32 $0x2, s6;
	s31 =	sshll.u32 s0, $0x6  }
0x9: {  	s11 =	sshrl.u32 s6, $0x1;
	s7 =	sadd.s32 s8, s7;
	s28 =	smin.u32 s9, $0x2498  }
0xa: {  	s11 =	ssub.s32 s6, s11;
	s7 =	sshrl.u32 s7, $0x3;
	s30 =	sshll.u32 s28, $0x7  }
0xb: {  	s8 =	sshll.u32 s28, $0x4;
	s10 =	sadd.s32 s7, s5;
	s9 =	sadd.s32 s29, s30  }
0xc: {  	s8 =	sadd.s32 s8, s5;
	s12 =	sadd.s32 s30, s3;
	s7 =	smax.u32 s11, $0x1  }
0xd: {  	s11 =	sor.u32 $0x1C01, s31;
	s9 =	sshrl.u32 s9, $0x3;
	s12 =	sshrl.u32 s12, $0x3  }
0xe: {  	s9 =	sadd.s32 s9, s5;
	s5 =	sadd.s32 $0xD200, s8;
	s8 =	sadd.s32 $0x3200, s10  }
0xf: {  	s10 =	simm.s32 $0x1;
	s6 =	sadd.s32 $0x34400, s9;
	s9 =	simm.s32 $0x2720  }
.LBB2_1:
0x10: {  	[tilespmem:s9], [sflag:$0x1] =	stream.linear.gather [hbm4b:s2+s4], $0x8000, $0x38;
	[tilespmem:$0xA820] =	vst v63  }
0x11: {  	_ =	swait.ge [sflag:s10], $0x8000  }
0x12: {  	[sflag:s10] =	ssyncset.done $0x0  }
0x13: {  	[sflag:s10] =	ssyncadd.s32 $0xFFFF8000  }
0x14: {  	[spmem:s12], [sflag:s11] =	dma.local [hbm:s5], $0x2780  }
0x15: {  	_ =	swait.ge [sflag:s10], $0x2780  }
0x16: {  	[sflag:s10] =	ssyncset.done $0x0  }
0x17: {  	[sflag:s10] =	ssyncadd.s32 $0xFFFFD880  }
0x18: {  	s16 =	sadd.s32 $0x0, s8;
	[bflag:$0x0] =	sbarrier.arrive $0xFFFF  }
0x19: {  	[tilespmem:s13], [sflag:$0x1] =	stream.linear.gather [hbm4b:s16+s4], $0x100, $0x38;
	[tilespmem:$0xA820] =	vst v63  }
0x1a: {  	_ =	swait.ge [sflag:s10], $0x100  }
0x1b: {  	[sflag:s10] =	ssyncset.done $0x0  }
0x1c: {  	[sflag:s10] =	ssyncadd.s32 $0xFFFFFF00  }
0x1d: {  	[spmem:s3] =	stream.indirect.scatter.add.f32 [tilespmem:s9], [sflag:$0x1], $0x10, s13, s14, $0xb8;
	[tilespmem:$0xA820] =	vst v63  }
0x1e: {  	_ =	swait.ge [sflag:s10], $0x1000  }
0x1f: {  	s17 =	simm.s32 $0x40;
	s16 =	simm.s32 $0x20;
	[sflag:s10] =	ssyncset.done $0x0  }
.LBB2_2:
0x20: {  	s18 =	sadd.s32 s16, s8  }
0x21: {  	[sflag:s10] =	ssyncadd.s32 $0xFFFFF000;
	s16 =	smov.u32 s17;
	s19 =	sadd.s32 $0x20, s17  }
0x22: {  	[tilespmem:s13], [sflag:$0x1] =	stream.linear.gather [hbm4b:s18+s4], $0x100, $0x38;
	[tilespmem:$0xA820] =	vst v63  }
0x23: {  	p0 =	sne.s32 s17, $0x4E0;
	_ =	swait.ge [sflag:s10], $0x100  }
.Ltmp0:
0x24: {  	[sflag:s10] =	ssyncset.done $0x0;
	(pc) =	sbr.rel @p0 .LBB2_2-.Ltmp0, $4  }
0x25: {  	[sflag:s10] =	ssyncadd.s32 $0xFFFFFF00  }
0x26: {  	[spmem:s3] =	stream.indirect.scatter.add.f32 [tilespmem:s9], [sflag:$0x1], $0x10, s13, s14, $0xb8;
	[tilespmem:$0xA820] =	vst v63  }
0x27: {  	_ =	swait.ge [sflag:s10], $0x1000  }
0x28: {  	s17 =	smov.u32 s19;
	[sflag:s10] =	ssyncset.done $0x0  }
0x29: {  	s16 =	sadd.s32 s16, s8;
	[sflag:s10] =	ssyncadd.s32 $0xFFFFF000  }
0x2a: {  	[tilespmem:s13], [sflag:$0x1] =	stream.linear.gather [hbm4b:s16+s4], $0x100, $0x38;
	[tilespmem:$0xA820] =	vst v63  }
0x2b: {  	_ =	swait.ge [sflag:s10], $0x100  }
0x2c: {  	[sflag:s10] =	ssyncset.done $0x0  }
0x2d: {  	[sflag:s10] =	ssyncadd.s32 $0xFFFFFF00  }
0x2e: {  	[spmem:s3] =	stream.indirect.scatter.add.f32 [tilespmem:s9], [sflag:$0x1], $0x10, s13, s14, $0xb8;
	[tilespmem:$0xA820] =	vst v63  }
0x2f: {  	_ =	swait.ge [sflag:s10], $0x1000  }
0x30: {  	s15 =	sadd.s32 $0x1, s15;
	[sflag:s10] =	ssyncset.done $0x0  }
0x31: {  	p0 =	sne.s32 s15, s7;
	[sflag:s10] =	ssyncadd.s32 $0xFFFFF000  }
.Ltmp1:
0x32: {  	[bflag:$0x0] =	sbarrier.arrive $0xFFFF;
	(pc) =	sbr.rel @p0 .LBB2_1-.Ltmp1, $4  }
0x33: {  	[hbm:s6], [sflag:s11] =	dma.local [spmem:s12], $0x2780  }
0x34: {  	_ =	swait.ge [sflag:s10], $0x2780  }
0x35: {  	[sflag:s10] =	ssyncset.done $0x0  }
0x36: {  	[sflag:s10] =	ssyncadd.s32 $0xFFFFD880  }
0x37: {  	_ =	sfence.sel $0x180000  }
0x38: {  	[bflag:$0x0] =	sbarrier.arrive $0xFFFF  }
0x39: {  	p0 =	sne.s32 s0, $0x0;
	_ =	strace $0x90000047  }
0x3a: {  	s0 =	sadd.s32 @!p0 $0x100000, s1;
	[bflag:$0x2] =	sbarrier.arrive $0xFFFF  }
0x3b: {  	[sflag:s0] =	ssyncadd.tile.s32 @!p0 $0x1;
	_ =	shalt  }
.Lfunc_end2:
_tile_overlayer_lowered:
.L_overlay_start_2:
0x3c: {  	(tag) =	ssettag $0x2  }
0x3d: {  	s0 =	rddreg [dreg:$0x0];
	s2 =	stileid.u32  }
0x3e: {  	s1 =	rddreg [dreg:$0x1];
	p0 =	sne.s32 s2, $0x0  }
0x3f: {  	s3 =	rddreg [dreg:$0x2];
	[bflag:$0x3] =	sbarrier.arrive $0xFFFF;
	s2 =	simm.s32 @!p0 $0x1C01  }
0x40: {  	[timem:s3], [sflag:s2] =	dma.local @!p0 [hbm:s0], s1  }
0x41: {  	s0 =	simm.s32 @!p0 $0x1  }
0x42: {  	_ =	swait.ge @!p0 [sflag:s0], s1  }
0x43: {  	s1 =	ssub.s32 @!p0 $0x0, s1;
	[sflag:s0] =	ssyncset.done @!p0 $0x0  }
0x44: {  	[sflag:s0] =	ssyncadd.s32 @!p0 s1  }
0x45: {  	[bflag:$0x3] =	sbarrier.arrive $0xFFFF  }
0x46: {  	_ =	shalt  }

// kernel: kernel.14.cloned.1.call-start
scs
__scs_entry_jumppad:
0x0: {  	(pc) =	sbr.rel $0x88, $3  }
0x1: {  	(tag) =	ssettag $0x0;
	lr =	simm.s32 $0x1  }
0x2: {  	[smem:$0x3F95] =	sst lr;
	_ =	strace $0xD0000000  }
0x3: {  	_ = 	snop  }
0x4: {  	_ = 	snop  }
0x5: {  	_ = 	snop  }
0x6: {  	_ = 	snop  }
0x7: {  	_ = 	snop  }
__scs_overlays_trampoline_lowered:
0x8: {  	[smem:$0x3FA4] =	sst s0  }
0x9: {  	[smem:$0x3FA5] =	sst s1  }
0xa: {  	[smem:$0x3FA6] =	sst s2  }
0xb: {  	[smem:$0x3FA7] =	sst s3  }
0xc: {  	[smem:$0x3FA8] =	sst s4  }
0xd: {  	[smem:$0x3FA9] =	sst s5  }
0xe: {  	[smem:$0x3FAA] =	sst s6  }
0xf: {  	[smem:$0x3FAB] =	sst s7  }
0x10: {  	[smem:$0x3FAC] =	sst s8  }
0x11: {  	[smem:$0x3FAD] =	sst s9;
	s0 =	simm.s32 @!p0 $0x0  }
0x12: {  	s1 =	sld [smem:$0x3F93];
	s0 =	simm.s32 @p0 $0x1  }
0x13: {  	[smem:$0x3FAE] =	sst s0;
	s0 =	simm.s32 @!p1 $0x0  }
0x14: {  	s2 =	sld [smem:$0x3F92];
	s0 =	simm.s32 @p1 $0x1  }
0x15: {  	[smem:$0x3FAF] =	sst s0;
	s0 =	simm.s32 @!p2 $0x0  }
0x16: {  	s3 =	sld [smem:$0x3FDB];
	s0 =	simm.s32 @p2 $0x1  }
0x17: {  	s4 =	simm.s32 $0x1BF5;
	[smem:$0x3FB1] =	sst s0  }
0x18: {  	s0 =	sld [smem:$0x3F94];
	_ =	swait.ge [sflag:s4], $0x0  }
0x19: {  	s7 =	sld [smem:$0x3F95]  }
0x1a: {  	s8 =	sadd.s32 $0xFFFFE003, lr  }
0x1b: {  	s9 =	sadd.s32 $0xFFFFFEF7, lr;
	s5 =	simm.s32 $0xFFFFFFFF;
	p2 =	slt.u32 s8, $0xFFFFF086  }
0x1c: {  	p1 =	slt.u32 s9, $0xF7A;
	s5 =	simm.s32 @!p2 $0x0  }
0x1d: {  	s5 =	simm.s32 @p1 $0x1;
	p0 =	seq.s32 s7, s2  }
0x1e: {  	s7 =	smul.u32 @!p0 $0xF7A, s2;
	p2 =	seq.s32 @!p0 s5, $0x0  }
0x1f: {  	s9 =	smul.u32 $0xF7A, s1;
	s8 =	simm.s32 @!p0 $0x1BF5;
	p2 =	por !p2, p0  }
0x20: {  	[sflag:s8] =	ssyncset.s32 @!p0 $0xFFFFF086;
	s6 =	sadd.s32 @!p0 s3, s7;
	s7 =	simm.s32 @!p0 $0x108  }
0x21: {  	s3 =	sadd.s32 s3, s9;
	s6 =	sadd.s32 @!p0 $0x88, s6;
	s7 =	simm.s32 @p2 $0x1082  }
0x22: {  	[simem:s7], [sflag:s8] =	dma.local @!p0 [hbm:s6], $0xF7A  }
0x23: {  	s9 =	sor.u32 $0xD0000000, s2;
	s6 =	simm.s32 $0x108;
	_ =	swait.ge @!p0 [sflag:s8], $0x0  }
0x24: {  	s3 =	sadd.s32 $0x88, s3;
	s6 =	simm.s32 @!p1 $0x1082;
	[sflag:s4] =	ssyncset.s32 $0xFFFFF086  }
0x25: {  	[simem:s6], [sflag:s4] =	dma.local [hbm:s3], $0xF7A  }
0x26: {  	[smem:$0x3F95] =	sst s1;
	(tag) =	ssettag s2;
	_ =	strace s9  }
0x27: {  	s1 =	sld [smem:$0x3FA5]  }
0x28: {  	s2 =	sld [smem:$0x3FA6]  }
0x29: {  	s4 =	sld [smem:$0x3FA8]  }
0x2a: {  	p0 =	seq.s32 s5, $0x0;
	s5 =	sld [smem:$0x3FA9]  }
0x2b: {  	s6 =	sld [smem:$0x3FAA]  }
0x2c: {  	s7 =	sld [smem:$0x3FAB]  }
0x2d: {  	s3 =	simm.s32 $0x108;
	s8 =	sld [smem:$0x3FAC]  }
0x2e: {  	s3 =	simm.s32 @!p0 $0x1082;
	s9 =	sld [smem:$0x3FAD]  }
0x2f: {  	lr =	sadd.s32 s0, s3;
	s0 =	sld [smem:$0x3FA4]  }
0x30: {  	s3 =	sld [smem:$0x3FA7]  }
0x31: {  	[smem:$0x3FB0] =	sst s10  }
0x32: {  	s10 =	sld [smem:$0x3FAE];
	_ =	sdelay $0x3  }
0x33: {  	p0 =	seq.s32 s10, $0x1;
	s10 =	sld [smem:$0x3FB0];
	_ =	sdelay $0x3  }
0x34: {  	[smem:$0x3FB0] =	sst s10  }
0x35: {  	s10 =	sld [smem:$0x3FAF];
	_ =	sdelay $0x3  }
0x36: {  	p1 =	seq.s32 s10, $0x1;
	s10 =	sld [smem:$0x3FB0];
	_ =	sdelay $0x3  }
0x37: {  	[smem:$0x3FB0] =	sst s10  }
0x38: {  	s10 =	sld [smem:$0x3FB1]  }
0x39: {  	_ = 	snop;
	(pc) =	sbr.ind lr, $3  }
0x3a: {  	_ = 	snop  }
0x3b: {  	_ = 	snop  }
0x3c: {  	p2 =	seq.s32 s10, $0x1;
	s10 =	sld [smem:$0x3FB0]  }
0x3d: {  	_ =	shalt  }
0x3e: {  	_ =	shalt  }
0x3f: {  	_ =	shalt  }
0x40: {  	_ =	shalt  }
0x41: {  	_ =	shalt  }
0x42: {  	_ =	shalt  }
0x43: {  	_ =	shalt  }
0x44: {  	_ =	shalt  }
0x45: {  	_ =	shalt  }
0x46: {  	_ =	shalt  }
0x47: {  	_ =	shalt  }
0x48: {  	_ =	shalt  }
0x49: {  	_ =	shalt  }
0x4a: {  	_ =	shalt  }
0x4b: {  	_ =	shalt  }
0x4c: {  	_ =	shalt  }
0x4d: {  	_ =	shalt  }
0x4e: {  	_ =	shalt  }
0x4f: {  	_ =	shalt  }
0x50: {  	_ =	shalt  }
0x51: {  	_ =	shalt  }
0x52: {  	_ =	shalt  }
0x53: {  	_ =	shalt  }
0x54: {  	_ =	shalt  }
0x55: {  	_ =	shalt  }
0x56: {  	_ =	shalt  }
0x57: {  	_ =	shalt  }
0x58: {  	_ =	shalt  }
0x59: {  	_ =	shalt  }
0x5a: {  	_ =	shalt  }
0x5b: {  	_ =	shalt  }
0x5c: {  	_ =	shalt  }
0x5d: {  	_ =	shalt  }
0x5e: {  	_ =	shalt  }
0x5f: {  	_ =	shalt  }
0x60: {  	_ =	shalt  }
0x61: {  	_ =	shalt  }
0x62: {  	_ =	shalt  }
0x63: {  	_ =	shalt  }
0x64: {  	_ =	shalt  }
0x65: {  	_ =	shalt  }
0x66: {  	_ =	shalt  }
0x67: {  	_ =	shalt  }
0x68: {  	_ =	shalt  }
0x69: {  	_ =	shalt  }
0x6a: {  	_ =	shalt  }
0x6b: {  	_ =	shalt  }
0x6c: {  	_ =	shalt  }
0x6d: {  	_ =	shalt  }
0x6e: {  	_ =	shalt  }
0x6f: {  	_ =	shalt  }
0x70: {  	_ =	shalt  }
0x71: {  	_ =	shalt  }
0x72: {  	_ =	shalt  }
0x73: {  	_ =	shalt  }
0x74: {  	_ =	shalt  }
0x75: {  	_ =	shalt  }
0x76: {  	_ =	shalt  }
0x77: {  	_ =	shalt  }
0x78: {  	_ =	shalt  }
0x79: {  	_ =	shalt  }
0x7a: {  	_ =	shalt  }
0x7b: {  	_ =	shalt  }
0x7c: {  	_ =	shalt  }
0x7d: {  	_ =	shalt  }
0x7e: {  	_ =	shalt  }
0x7f: {  	_ =	shalt  }
0x80: {  	_ =	shalt  }
0x81: {  	_ =	shalt  }
0x82: {  	_ =	shalt  }
0x83: {  	_ =	shalt  }
0x84: {  	_ =	shalt  }
0x85: {  	_ =	shalt  }
0x86: {  	_ =	shalt  }
0x87: {  	_ =	shalt  }
.Lfunc_end0:
.L_simem_size_0:
called_computation.1_lowered:
.L_overlay_start_0:
0x88: {  	s2 =	sld [smem:$0x3FD9]  }
0x89: {  	s3 =	sld [smem:$0x3FFE];
	_ =	sdelay $0x1  }
0x8a: {  	s1 =	srdreg.scid  }
0x8b: {  	s0 =	sand.u32 $0x1, s1  }
0x8c: {  	s16 =	sshll.u32 s0, $0xA;
	s2 =	sadd.s32 s3, s2  }
0x8d: {  	s2 =	sadd.s32 s2, s16  }
0x8e: {  	[smem:$0x3FBC] =	sst s2  }
0x8f: {  	_ = 	snop  }
0x90: {  	(tm) =	ssettm $0x1  }
0x91: {  	s17 =	sld [smem:$0x3FFB];
	_ =	sdelay $0x3  }
0x92: {  	_ =	strace s17  }
0x93: {  	s2 =	sld [smem:$0x3FFC];
	_ =	sdelay $0x3  }
0x94: {  	_ =	strace s2  }
0x95: {  	s2 =	sld [smem:$0x3FFD];
	_ =	sdelay $0x3  }
0x96: {  	_ =	strace s2  }
0x97: {  	_ =	strace $0x8FFFFFFF  }
0x98: {  	s18 =	sld [smem:$0x3FDB];
	_ =	sdelay $0x1  }
0x99: {  	s19 =	simm.s32 $_scs_section_size  }
0x9a: {  	s4 =	simm.s32 $_size__tile_overlayer_lowered;
	s5 =	simm.s32 $_tile_overlayer_lowered  }
0x9b: {  	s22 =	simm.s32 $0x1BFF;
	s21 =	sshll.u32 s5, $0x1;
	s2 =	sadd.s32 s19, s18  }
0x9c: {  	s6 =	simm.s32 $0x0;
	s20 =	sshll.u32 s4, $0x1;
	s4 =	sadd.s32 s21, s2  }
0x9d: {  	[timem:s6], [sflag:s22] =	dma.local [hbm:s4], s20  }
0x9e: {  	_ =	swait.ge [sflag:s22], s20  }
0x9f: {  	s3 =	ssub.s32 $0x0, s20;
	[sflag:s22] =	ssyncset.done $0x0  }
0xa0: {  	[sflag:s22] =	ssyncadd.s32 s3;
	_ =	sdelay $0x1  }
0xa1: {  	s23 =	simm.s32 $0x1B8B  }
0xa2: {  	_ =	swait.ge [sflag:s23], $0x1  }
0xa3: {  	[sflag:s23] =	ssyncset.done $0x0  }
0xa4: {  	s25 =	simm.s32 $0x1B8E;
	s24 =	sld [smem:$0x3FFE];
	[sflag:s23] =	ssyncadd.s32 $0xFFFFFFFF  }
0xa5: {  	s26 =	simm.s32 $execute0_lowered;
	[smem:$0x3FD2] =	sst s25  }
0xa6: {  	s4 =	sshll.u32 s26, $0x1;
	_ =	strace $0x80000049;
	[dreg:$0x1] =	wrdreg $0xFFFFFFFF  }
0xa7: {  	s28 =	simm.s32 $_size_execute0_lowered;
	s2 =	sadd.s32 s2, s4;
	[dreg:$0x0] =	wrdreg $0x0  }
0xa8: {  	s4 =	sshll.u32 s28, $0x1;
	[dreg:$0x2] =	wrdreg s2  }
0xa9: {  	[dreg:$0x3] =	wrdreg s4  }
0xaa: {  	[dreg:$0x4] =	wrdreg $0xC0  }
0xab: {  	_ =	task [dreg:s6], $0x5FFFF  }
0xac: {  	[dreg:$0x1] =	wrdreg $0xFFFFFFFF  }
0xad: {  	[dreg:$0x0] =	wrdreg $0x60  }
0xae: {  	[dreg:$0x2] =	wrdreg s24  }
0xaf: {  	[dreg:$0x3] =	wrdreg $0x0  }
0xb0: {  	[dreg:$0x4] =	wrdreg $0x9  }
0xb1: {  	_ =	task.clear_ibuf [dreg:s6], $0x5FFFF;
	_ =	strace $0x90000049  }
0xb2: {  	s29 =	simm.s32 $0x9;
	_ =	strace $0x8000004B  }
0xb3: {  	_ =	swait.ge [sflag:s29], $0x1  }
0xb4: {  	[sflag:s29] =	ssyncadd.s32 $0xFFFFFFFF  }
0xb5: {  	_ =	strace $0x9000004B  }
0xb6: {  	_ =	sfence  }
0xb7: {  	s30 =	sld [smem:$0x0];
	_ =	sdelay $0x2  }
0xb8: {  	s31 =	sshll.u32 s1, $0xD;
	s1 =	sshrl.u32 s1, $0x2  }
0xb9: {  	s3 =	sand.u32 $0x4000, s31;
	s1 =	sadd.s32 s1, s30  }
0xba: {  	s0 =	sor.u32 s3, s0;
	s1 =	sshll.u32 s1, $0x11  }
0xbb: {  	s0 =	sor.u32 s1, s0  }
0xbc: {  	s0 =	sadd.s32 $0x8F2B, s0  }
0xbd: {  	[sflag:s0] =	ssyncadd.remote.s32 $0x1  }
0xbe: {  	_ =	sfence.sel $0xFFFF  }
0xbf: {  	[dreg:$0x0] =	wrdreg $0xFFFFFFFF;
	(pc) =	sbr.abs _section_cstart, $3  }
0xc0: {  	[dreg:$0x1] =	wrdreg $0xFFFFFFFF  }
0xc1: {  	_ =	task.clear_ibuf [dreg:s6], $0x2FFFF;
	_ =	strace $0x9FFFFFFF  }
0xc2: {  	(tm) =	ssettm $0x7FFFFFFF  }
0xc3: {  	_ =	shalt  }
tec
execute0_lowered:
.L_overlay_start_1:
0x0: {  	(tag) =	ssettag $0x1  }
0x1: {  	s5 =	rddreg [dreg:$0x0];
	s0 =	srdreg.scid  }
0x2: {  	s2 =	rddreg [dreg:$0x1];
	s1 =	stileid.u32  }
0x3: {  	s3 =	simm.s32 $0x0;
	s13 =	simm.s32 $0x13900;
	s14 =	simm.s32 $0x13A00  }
0x4: {  	s15 =	simm.s32 $0x100;
	s16 =	simm.s32 $0x13B00;
	s17 =	simm.s32 $0x1  }
0x5: {  	s6 =	sand.u32 $0x1, s0;
	s0 =	rddreg [dreg:$0x2];
	s7 =	smul.u32 $0x2800, s1  }
0x6: {  	s18 =	simm.s32 $0x0;
	[smem:$0x7FF] =	sst s3;
	s8 =	smul.u32 $0x278, s1  }
0x7: {  	s31 =	sshll.u32 s1, $0x6;
	s4 =	smul.u32 $0x28000, s6;
	_ =	strace $0x8000004A  }
0x8: {  	s9 =	smul.u32 $0x138800, s6;
	s6 =	ssub.s32 $0x2, s6;
	s8 =	smin.u32 s8, $0x2498  }
0x9: {  	s11 =	sshrl.u32 s6, $0x1;
	s4 =	sadd.s32 s7, s4;
	s30 =	sshll.u32 s8, $0x7  }
0xa: {  	s8 =	sshll.u32 s8, $0x4;
	s11 =	ssub.s32 s6, s11;
	s6 =	sor.u32 $0x1C02, s31  }
0xb: {  	s7 =	sshrl.u32 s4, $0x3;
	s4 =	sadd.s32 $0xD200, s5;
	s9 =	sadd.s32 s9, s30  }
0xc: {  	s8 =	sadd.s32 s8, s5;
	s12 =	sadd.s32 s30, s2;
	s9 =	sshrl.u32 s9, $0x3  }
0xd: {  	s10 =	sadd.s32 s7, s5;
	s9 =	sadd.s32 s9, s5;
	s5 =	sadd.s32 $0x34400, s8  }
0xe: {  	s8 =	smax.u32 s11, $0x1;
	s11 =	sshrl.u32 s12, $0x3;
	s12 =	simm.s32 $0x2  }
0xf: {  	s7 =	sadd.s32 $0x8C600, s9;
	s9 =	sadd.s32 $0x3200, s10;
	s10 =	sadd.s32 $0x82600, s10  }
.LBB2_1:
0x10: {  	[spmem:s11], [sflag:s6] =	dma.local [hbm:s5], $0x2780  }
0x11: {  	_ =	swait.ge [sflag:s12], $0x2780  }
0x12: {  	[sflag:s12] =	ssyncset.done $0x0  }
0x13: {  	[sflag:s12] =	ssyncadd.s32 $0xFFFFD880  }
0x14: {  	s19 =	sadd.s32 $0x0, s10;
	[bflag:$0x0] =	sbarrier.arrive $0xFFFF  }
0x15: {  	[tilespmem:s13], [sflag:$0x2] =	stream.linear.gather [hbm4b:s19+s3], $0x100, $0x38;
	[tilespmem:$0x1BB00] =	vst v63  }
0x16: {  	_ =	swait.ge [sflag:s12], $0x100  }
0x17: {  	[sflag:s12] =	ssyncset.done $0x0  }
0x18: {  	s31 =	sadd.s32 $0x0, s9;
	[sflag:s12] =	ssyncadd.s32 $0xFFFFFF00  }
0x19: {  	[tilespmem:s14], [sflag:$0x2] =	stream.linear.gather [hbm4b:s31+s3], $0x100, $0x38;
	[tilespmem:$0x1BB00] =	vst v63  }
0x1a: {  	_ =	swait.ge [sflag:s12], $0x100  }
0x1b: {  	[sflag:s12] =	ssyncset.done $0x0  }
0x1c: {  	[sflag:s12] =	ssyncadd.s32 $0xFFFFFF00  }
0x1d: {  	[tilespmem:s16], [sflag:$0x1] =	stream.indirect.gather [hbm4b:s4+s15], $0x80, s13, s15, $0xb8;
	[tilespmem:$0x1BB00] =	vst v63  }
0x1e: {  	_ =	swait.ge [sflag:s17], $0x8000  }
0x1f: {  	[sflag:s17] =	ssyncset.done $0x0  }
0x20: {  	[sflag:s17] =	ssyncadd.s32 $0xFFFF8000  }
0x21: {  	[spmem:s2] =	stream.indirect.scatter.add.f32 [tilespmem:s16], [sflag:$0x2], $0x80, s14, s15, $0xb8;
	[tilespmem:$0x1BB00] =	vst v63  }
0x22: {  	_ =	swait.ge [sflag:s12], $0x8000  }
0x23: {  	s20 =	simm.s32 $0x40;
	s19 =	simm.s32 $0x20;
	[sflag:s12] =	ssyncset.done $0x0  }
.LBB2_2:
0x24: {  	s21 =	sadd.s32 s19, s10  }
0x25: {  	[sflag:s12] =	ssyncadd.s32 $0xFFFF8000;
	s22 =	smov.u32 s20;
	s23 =	sadd.s32 $0x20, s20  }
0x26: {  	[tilespmem:s13], [sflag:$0x2] =	stream.linear.gather [hbm4b:s21+s3], $0x100, $0x38;
	[tilespmem:$0x1BB00] =	vst v63  }
0x27: {  	p0 =	sne.s32 s20, $0x4E0;
	_ =	swait.ge [sflag:s12], $0x100  }
0x28: {  	[sflag:s12] =	ssyncset.done $0x0  }
0x29: {  	s20 =	sadd.s32 s19, s9;
	s19 =	smov.u32 s22;
	[sflag:s12] =	ssyncadd.s32 $0xFFFFFF00  }
0x2a: {  	[tilespmem:s14], [sflag:$0x2] =	stream.linear.gather [hbm4b:s20+s3], $0x100, $0x38;
	[tilespmem:$0x1BB00] =	vst v63  }
0x2b: {  	_ =	swait.ge [sflag:s12], $0x100  }
0x2c: {  	[sflag:s12] =	ssyncset.done $0x0  }
0x2d: {  	[sflag:s12] =	ssyncadd.s32 $0xFFFFFF00  }
0x2e: {  	[tilespmem:s16], [sflag:$0x1] =	stream.indirect.gather [hbm4b:s4+s15], $0x80, s13, s15, $0xb8;
	[tilespmem:$0x1BB00] =	vst v63  }
0x2f: {  	_ =	swait.ge [sflag:s17], $0x8000  }
.Ltmp0:
0x30: {  	[sflag:s17] =	ssyncset.done $0x0;
	(pc) =	sbr.rel @p0 .LBB2_2-.Ltmp0, $4  }
0x31: {  	[sflag:s17] =	ssyncadd.s32 $0xFFFF8000  }
0x32: {  	[spmem:s2] =	stream.indirect.scatter.add.f32 [tilespmem:s16], [sflag:$0x2], $0x80, s14, s15, $0xb8;
	[tilespmem:$0x1BB00] =	vst v63  }
0x33: {  	_ =	swait.ge [sflag:s12], $0x8000  }
0x34: {  	s20 =	smov.u32 s23;
	[sflag:s12] =	ssyncset.done $0x0  }
0x35: {  	s20 =	sadd.s32 s19, s10;
	[sflag:s12] =	ssyncadd.s32 $0xFFFF8000  }
0x36: {  	[tilespmem:s13], [sflag:$0x2] =	stream.linear.gather [hbm4b:s20+s3], $0x100, $0x38;
	[tilespmem:$0x1BB00] =	vst v63  }
0x37: {  	_ =	swait.ge [sflag:s12], $0x100  }
0x38: {  	[sflag:s12] =	ssyncset.done $0x0  }
0x39: {  	s31 =	sadd.s32 s19, s9;
	[sflag:s12] =	ssyncadd.s32 $0xFFFFFF00  }
0x3a: {  	[tilespmem:s14], [sflag:$0x2] =	stream.linear.gather [hbm4b:s31+s3], $0x100, $0x38;
	[tilespmem:$0x1BB00] =	vst v63  }
0x3b: {  	_ =	swait.ge [sflag:s12], $0x100  }
0x3c: {  	[sflag:s12] =	ssyncset.done $0x0  }
0x3d: {  	[sflag:s12] =	ssyncadd.s32 $0xFFFFFF00  }
0x3e: {  	[tilespmem:s16], [sflag:$0x1] =	stream.indirect.gather [hbm4b:s4+s15], $0x80, s13, s15, $0xb8;
	[tilespmem:$0x1BB00] =	vst v63  }
0x3f: {  	_ =	swait.ge [sflag:s17], $0x8000  }
0x40: {  	[sflag:s17] =	ssyncset.done $0x0  }
0x41: {  	[sflag:s17] =	ssyncadd.s32 $0xFFFF8000  }
0x42: {  	[spmem:s2] =	stream.indirect.scatter.add.f32 [tilespmem:s16], [sflag:$0x2], $0x80, s14, s15, $0xb8;
	[tilespmem:$0x1BB00] =	vst v63  }
0x43: {  	_ =	swait.ge [sflag:s12], $0x8000  }
0x44: {  	s18 =	sadd.s32 $0x1, s18;
	[sflag:s12] =	ssyncset.done $0x0  }
0x45: {  	p0 =	sne.s32 s18, s8;
	[sflag:s12] =	ssyncadd.s32 $0xFFFF8000  }
.Ltmp1:
0x46: {  	[bflag:$0x0] =	sbarrier.arrive $0xFFFF;
	(pc) =	sbr.rel @p0 .LBB2_1-.Ltmp1, $4  }
0x47: {  	[hbm:s7], [sflag:s6] =	dma.local [spmem:s11], $0x2780  }
0x48: {  	_ =	swait.ge [sflag:s12], $0x2780  }
0x49: {  	[sflag:s12] =	ssyncset.done $0x0  }
0x4a: {  	[sflag:s12] =	ssyncadd.s32 $0xFFFFD880  }
0x4b: {  	_ =	sfence.sel $0x180000  }
0x4c: {  	[bflag:$0x0] =	sbarrier.arrive $0xFFFF  }
0x4d: {  	p0 =	sne.s32 s1, $0x0;
	_ =	strace $0x9000004A  }
0x4e: {  	s0 =	sadd.s32 @!p0 $0x100000, s0;
	[bflag:$0x2] =	sbarrier.arrive $0xFFFF  }
0x4f: {  	[sflag:s0] =	ssyncadd.tile.s32 @!p0 $0x1;
	_ =	shalt  }
.Lfunc_end2:
_tile_overlayer_lowered:
.L_overlay_start_2:
0x50: {  	(tag) =	ssettag $0x2  }
0x51: {  	s0 =	rddreg [dreg:$0x0];
	s2 =	stileid.u32  }
0x52: {  	s1 =	rddreg [dreg:$0x1];
	p0 =	sne.s32 s2, $0x0  }
0x53: {  	s3 =	rddreg [dreg:$0x2];
	[bflag:$0x3] =	sbarrier.arrive $0xFFFF;
	s2 =	simm.s32 @!p0 $0x1C02  }
0x54: {  	[timem:s3], [sflag:s2] =	dma.local @!p0 [hbm:s0], s1  }
0x55: {  	s0 =	simm.s32 @!p0 $0x2  }
0x56: {  	_ =	swait.ge @!p0 [sflag:s0], s1  }
0x57: {  	s1 =	ssub.s32 @!p0 $0x0, s1;
	[sflag:s0] =	ssyncset.done @!p0 $0x0  }
0x58: {  	[sflag:s0] =	ssyncadd.s32 @!p0 s1  }
0x59: {  	[bflag:$0x3] =	sbarrier.arrive $0xFFFF  }
0x5a: {  	_ =	shalt  }

// kernel: kernel.17.cloned.1.call-start
scs
__scs_entry_jumppad:
0x0: {  	(pc) =	sbr.rel $0x88, $3  }
0x1: {  	(tag) =	ssettag $0x0;
	lr =	simm.s32 $0x1  }
0x2: {  	[smem:$0x3F95] =	sst lr;
	_ =	strace $0xD0000000  }
0x3: {  	_ = 	snop  }
0x4: {  	_ = 	snop  }
0x5: {  	_ = 	snop  }
0x6: {  	_ = 	snop  }
0x7: {  	_ = 	snop  }
__scs_overlays_trampoline_lowered:
0x8: {  	[smem:$0x3FA4] =	sst s0  }
0x9: {  	[smem:$0x3FA5] =	sst s1  }
0xa: {  	[smem:$0x3FA6] =	sst s2  }
0xb: {  	[smem:$0x3FA7] =	sst s3  }
0xc: {  	[smem:$0x3FA8] =	sst s4  }
0xd: {  	[smem:$0x3FA9] =	sst s5  }
0xe: {  	[smem:$0x3FAA] =	sst s6  }
0xf: {  	[smem:$0x3FAB] =	sst s7  }
0x10: {  	[smem:$0x3FAC] =	sst s8  }
0x11: {  	[smem:$0x3FAD] =	sst s9;
	s0 =	simm.s32 @!p0 $0x0  }
0x12: {  	s1 =	sld [smem:$0x3F93];
	s0 =	simm.s32 @p0 $0x1  }
0x13: {  	[smem:$0x3FAE] =	sst s0;
	s0 =	simm.s32 @!p1 $0x0  }
0x14: {  	s2 =	sld [smem:$0x3F92];
	s0 =	simm.s32 @p1 $0x1  }
0x15: {  	[smem:$0x3FAF] =	sst s0;
	s0 =	simm.s32 @!p2 $0x0  }
0x16: {  	s3 =	sld [smem:$0x3FDB];
	s0 =	simm.s32 @p2 $0x1  }
0x17: {  	s4 =	simm.s32 $0x1BF5;
	[smem:$0x3FB1] =	sst s0  }
0x18: {  	s0 =	sld [smem:$0x3F94];
	_ =	swait.ge [sflag:s4], $0x0  }
0x19: {  	s7 =	sld [smem:$0x3F95]  }
0x1a: {  	s8 =	sadd.s32 $0xFFFFE003, lr  }
0x1b: {  	s9 =	sadd.s32 $0xFFFFFEF7, lr;
	s5 =	simm.s32 $0xFFFFFFFF;
	p2 =	slt.u32 s8, $0xFFFFF086  }
0x1c: {  	p1 =	slt.u32 s9, $0xF7A;
	s5 =	simm.s32 @!p2 $0x0  }
0x1d: {  	s5 =	simm.s32 @p1 $0x1;
	p0 =	seq.s32 s7, s2  }
0x1e: {  	s7 =	smul.u32 @!p0 $0xF7A, s2;
	p2 =	seq.s32 @!p0 s5, $0x0  }
0x1f: {  	s9 =	smul.u32 $0xF7A, s1;
	s8 =	simm.s32 @!p0 $0x1BF5;
	p2 =	por !p2, p0  }
0x20: {  	[sflag:s8] =	ssyncset.s32 @!p0 $0xFFFFF086;
	s6 =	sadd.s32 @!p0 s3, s7;
	s7 =	simm.s32 @!p0 $0x108  }
0x21: {  	s3 =	sadd.s32 s3, s9;
	s6 =	sadd.s32 @!p0 $0x88, s6;
	s7 =	simm.s32 @p2 $0x1082  }
0x22: {  	[simem:s7], [sflag:s8] =	dma.local @!p0 [hbm:s6], $0xF7A  }
0x23: {  	s9 =	sor.u32 $0xD0000000, s2;
	s6 =	simm.s32 $0x108;
	_ =	swait.ge @!p0 [sflag:s8], $0x0  }
0x24: {  	s3 =	sadd.s32 $0x88, s3;
	s6 =	simm.s32 @!p1 $0x1082;
	[sflag:s4] =	ssyncset.s32 $0xFFFFF086  }
0x25: {  	[simem:s6], [sflag:s4] =	dma.local [hbm:s3], $0xF7A  }
0x26: {  	[smem:$0x3F95] =	sst s1;
	(tag) =	ssettag s2;
	_ =	strace s9  }
0x27: {  	s1 =	sld [smem:$0x3FA5]  }
0x28: {  	s2 =	sld [smem:$0x3FA6]  }
0x29: {  	s4 =	sld [smem:$0x3FA8]  }
0x2a: {  	p0 =	seq.s32 s5, $0x0;
	s5 =	sld [smem:$0x3FA9]  }
0x2b: {  	s6 =	sld [smem:$0x3FAA]  }
0x2c: {  	s7 =	sld [smem:$0x3FAB]  }
0x2d: {  	s3 =	simm.s32 $0x108;
	s8 =	sld [smem:$0x3FAC]  }
0x2e: {  	s3 =	simm.s32 @!p0 $0x1082;
	s9 =	sld [smem:$0x3FAD]  }
0x2f: {  	lr =	sadd.s32 s0, s3;
	s0 =	sld [smem:$0x3FA4]  }
0x30: {  	s3 =	sld [smem:$0x3FA7]  }
0x31: {  	[smem:$0x3FB0] =	sst s10  }
0x32: {  	s10 =	sld [smem:$0x3FAE];
	_ =	sdelay $0x3  }
0x33: {  	p0 =	seq.s32 s10, $0x1;
	s10 =	sld [smem:$0x3FB0];
	_ =	sdelay $0x3  }
0x34: {  	[smem:$0x3FB0] =	sst s10  }
0x35: {  	s10 =	sld [smem:$0x3FAF];
	_ =	sdelay $0x3  }
0x36: {  	p1 =	seq.s32 s10, $0x1;
	s10 =	sld [smem:$0x3FB0];
	_ =	sdelay $0x3  }
0x37: {  	[smem:$0x3FB0] =	sst s10  }
0x38: {  	s10 =	sld [smem:$0x3FB1]  }
0x39: {  	_ = 	snop;
	(pc) =	sbr.ind lr, $3  }
0x3a: {  	_ = 	snop  }
0x3b: {  	_ = 	snop  }
0x3c: {  	p2 =	seq.s32 s10, $0x1;
	s10 =	sld [smem:$0x3FB0]  }
0x3d: {  	_ =	shalt  }
0x3e: {  	_ =	shalt  }
0x3f: {  	_ =	shalt  }
0x40: {  	_ =	shalt  }
0x41: {  	_ =	shalt  }
0x42: {  	_ =	shalt  }
0x43: {  	_ =	shalt  }
0x44: {  	_ =	shalt  }
0x45: {  	_ =	shalt  }
0x46: {  	_ =	shalt  }
0x47: {  	_ =	shalt  }
0x48: {  	_ =	shalt  }
0x49: {  	_ =	shalt  }
0x4a: {  	_ =	shalt  }
0x4b: {  	_ =	shalt  }
0x4c: {  	_ =	shalt  }
0x4d: {  	_ =	shalt  }
0x4e: {  	_ =	shalt  }
0x4f: {  	_ =	shalt  }
0x50: {  	_ =	shalt  }
0x51: {  	_ =	shalt  }
0x52: {  	_ =	shalt  }
0x53: {  	_ =	shalt  }
0x54: {  	_ =	shalt  }
0x55: {  	_ =	shalt  }
0x56: {  	_ =	shalt  }
0x57: {  	_ =	shalt  }
0x58: {  	_ =	shalt  }
0x59: {  	_ =	shalt  }
0x5a: {  	_ =	shalt  }
0x5b: {  	_ =	shalt  }
0x5c: {  	_ =	shalt  }
0x5d: {  	_ =	shalt  }
0x5e: {  	_ =	shalt  }
0x5f: {  	_ =	shalt  }
0x60: {  	_ =	shalt  }
0x61: {  	_ =	shalt  }
0x62: {  	_ =	shalt  }
0x63: {  	_ =	shalt  }
0x64: {  	_ =	shalt  }
0x65: {  	_ =	shalt  }
0x66: {  	_ =	shalt  }
0x67: {  	_ =	shalt  }
0x68: {  	_ =	shalt  }
0x69: {  	_ =	shalt  }
0x6a: {  	_ =	shalt  }
0x6b: {  	_ =	shalt  }
0x6c: {  	_ =	shalt  }
0x6d: {  	_ =	shalt  }
0x6e: {  	_ =	shalt  }
0x6f: {  	_ =	shalt  }
0x70: {  	_ =	shalt  }
0x71: {  	_ =	shalt  }
0x72: {  	_ =	shalt  }
0x73: {  	_ =	shalt  }
0x74: {  	_ =	shalt  }
0x75: {  	_ =	shalt  }
0x76: {  	_ =	shalt  }
0x77: {  	_ =	shalt  }
0x78: {  	_ =	shalt  }
0x79: {  	_ =	shalt  }
0x7a: {  	_ =	shalt  }
0x7b: {  	_ =	shalt  }
0x7c: {  	_ =	shalt  }
0x7d: {  	_ =	shalt  }
0x7e: {  	_ =	shalt  }
0x7f: {  	_ =	shalt  }
0x80: {  	_ =	shalt  }
0x81: {  	_ =	shalt  }
0x82: {  	_ =	shalt  }
0x83: {  	_ =	shalt  }
0x84: {  	_ =	shalt  }
0x85: {  	_ =	shalt  }
0x86: {  	_ =	shalt  }
0x87: {  	_ =	shalt  }
.Lfunc_end0:
.L_simem_size_0:
called_computation.2_lowered:
.L_overlay_start_0:
0x88: {  	s2 =	sld [smem:$0x3FD9]  }
0x89: {  	s3 =	sld [smem:$0x3FFE];
	_ =	sdelay $0x1  }
0x8a: {  	s1 =	srdreg.scid  }
0x8b: {  	s0 =	sand.u32 $0x1, s1  }
0x8c: {  	s16 =	sshll.u32 s0, $0xA;
	s2 =	sadd.s32 s3, s2  }
0x8d: {  	s2 =	sadd.s32 s2, s16  }
0x8e: {  	[smem:$0x3FBC] =	sst s2  }
0x8f: {  	_ = 	snop  }
0x90: {  	(tm) =	ssettm $0x1  }
0x91: {  	s17 =	sld [smem:$0x3FFB];
	_ =	sdelay $0x3  }
0x92: {  	_ =	strace s17  }
0x93: {  	s2 =	sld [smem:$0x3FFC];
	_ =	sdelay $0x3  }
0x94: {  	_ =	strace s2  }
0x95: {  	s2 =	sld [smem:$0x3FFD];
	_ =	sdelay $0x3  }
0x96: {  	_ =	strace s2  }
0x97: {  	_ =	strace $0x8FFFFFFF  }
0x98: {  	s18 =	sld [smem:$0x3FDB];
	_ =	sdelay $0x1  }
0x99: {  	s19 =	simm.s32 $_scs_section_size  }
0x9a: {  	s4 =	simm.s32 $_size__tile_overlayer_lowered;
	s5 =	simm.s32 $_tile_overlayer_lowered  }
0x9b: {  	s22 =	simm.s32 $0x1BFF;
	s21 =	sshll.u32 s5, $0x1;
	s2 =	sadd.s32 s19, s18  }
0x9c: {  	s6 =	simm.s32 $0x0;
	s20 =	sshll.u32 s4, $0x1;
	s4 =	sadd.s32 s21, s2  }
0x9d: {  	[timem:s6], [sflag:s22] =	dma.local [hbm:s4], s20  }
0x9e: {  	_ =	swait.ge [sflag:s22], s20  }
0x9f: {  	s3 =	ssub.s32 $0x0, s20;
	[sflag:s22] =	ssyncset.done $0x0  }
0xa0: {  	[sflag:s22] =	ssyncadd.s32 s3;
	_ =	sdelay $0x1  }
0xa1: {  	s23 =	simm.s32 $0x1B8B  }
0xa2: {  	_ =	swait.ge [sflag:s23], $0x1  }
0xa3: {  	[sflag:s23] =	ssyncset.done $0x0  }
0xa4: {  	s25 =	simm.s32 $0x1B8E;
	s24 =	sld [smem:$0x3FFE];
	[sflag:s23] =	ssyncadd.s32 $0xFFFFFFFF  }
0xa5: {  	s26 =	simm.s32 $execute0_lowered;
	[smem:$0x3FD2] =	sst s25  }
0xa6: {  	s4 =	sshll.u32 s26, $0x1;
	_ =	strace $0x8000004C;
	[dreg:$0x1] =	wrdreg $0xFFFFFFFF  }
0xa7: {  	s28 =	simm.s32 $_size_execute0_lowered;
	s2 =	sadd.s32 s2, s4;
	[dreg:$0x0] =	wrdreg $0x0  }
0xa8: {  	s4 =	sshll.u32 s28, $0x1;
	[dreg:$0x2] =	wrdreg s2  }
0xa9: {  	[dreg:$0x3] =	wrdreg s4  }
0xaa: {  	[dreg:$0x4] =	wrdreg $0xC0  }
0xab: {  	_ =	task [dreg:s6], $0x5FFFF  }
0xac: {  	[dreg:$0x1] =	wrdreg $0xFFFFFFFF  }
0xad: {  	[dreg:$0x0] =	wrdreg $0x60  }
0xae: {  	[dreg:$0x2] =	wrdreg s24  }
0xaf: {  	[dreg:$0x3] =	wrdreg $0x0  }
0xb0: {  	[dreg:$0x4] =	wrdreg $0x9  }
0xb1: {  	_ =	task.clear_ibuf [dreg:s6], $0x5FFFF;
	_ =	strace $0x9000004C  }
0xb2: {  	s29 =	simm.s32 $0x9;
	_ =	strace $0x8000004E  }
0xb3: {  	_ =	swait.ge [sflag:s29], $0x1  }
0xb4: {  	[sflag:s29] =	ssyncadd.s32 $0xFFFFFFFF  }
0xb5: {  	_ =	strace $0x9000004E  }
0xb6: {  	_ =	sfence  }
0xb7: {  	s30 =	sld [smem:$0x0];
	_ =	sdelay $0x2  }
0xb8: {  	s31 =	sshll.u32 s1, $0xD;
	s1 =	sshrl.u32 s1, $0x2  }
0xb9: {  	s3 =	sand.u32 $0x4000, s31;
	s1 =	sadd.s32 s1, s30  }
0xba: {  	s0 =	sor.u32 s3, s0;
	s1 =	sshll.u32 s1, $0x11  }
0xbb: {  	s0 =	sor.u32 s1, s0  }
0xbc: {  	s0 =	sadd.s32 $0x8F2B, s0  }
0xbd: {  	[sflag:s0] =	ssyncadd.remote.s32 $0x1  }
0xbe: {  	_ =	sfence.sel $0xFFFF  }
0xbf: {  	[dreg:$0x0] =	wrdreg $0xFFFFFFFF;
	(pc) =	sbr.abs _section_cstart, $3  }
0xc0: {  	[dreg:$0x1] =	wrdreg $0xFFFFFFFF  }
0xc1: {  	_ =	task.clear_ibuf [dreg:s6], $0x2FFFF;
	_ =	strace $0x9FFFFFFF  }
0xc2: {  	(tm) =	ssettm $0x7FFFFFFF  }
0xc3: {  	_ =	shalt  }
tec
execute0_lowered:
.L_overlay_start_1:
0x0: {  	(tag) =	ssettag $0x1  }
0x1: {  	s5 =	rddreg [dreg:$0x0];
	s0 =	srdreg.scid  }
0x2: {  	s2 =	rddreg [dreg:$0x1];
	s1 =	stileid.u32  }
0x3: {  	s3 =	simm.s32 $0x0;
	s13 =	simm.s32 $0x13900;
	s14 =	simm.s32 $0x13A00  }
0x4: {  	s15 =	simm.s32 $0x100;
	s16 =	simm.s32 $0x13B00;
	s17 =	simm.s32 $0x1  }
0x5: {  	s6 =	sand.u32 $0x1, s0;
	s0 =	rddreg [dreg:$0x2];
	s7 =	smul.u32 $0x2800, s1  }
0x6: {  	s18 =	simm.s32 $0x0;
	[smem:$0x7FF] =	sst s3;
	s8 =	smul.u32 $0x278, s1  }
0x7: {  	s31 =	sshll.u32 s1, $0x6;
	s4 =	smul.u32 $0x28000, s6;
	_ =	strace $0x8000004D  }
0x8: {  	s9 =	smul.u32 $0x138800, s6;
	s6 =	ssub.s32 $0x2, s6;
	s8 =	smin.u32 s8, $0x2498  }
0x9: {  	s11 =	sshrl.u32 s6, $0x1;
	s4 =	sadd.s32 s7, s4;
	s30 =	sshll.u32 s8, $0x7  }
0xa: {  	s8 =	sshll.u32 s8, $0x4;
	s11 =	ssub.s32 s6, s11;
	s6 =	sor.u32 $0x1C02, s31  }
0xb: {  	s7 =	sshrl.u32 s4, $0x3;
	s4 =	sadd.s32 $0xD200, s5;
	s9 =	sadd.s32 s9, s30  }
0xc: {  	s8 =	sadd.s32 s8, s5;
	s12 =	sadd.s32 s30, s2;
	s9 =	sshrl.u32 s9, $0x3  }
0xd: {  	s10 =	sadd.s32 s7, s5;
	s9 =	sadd.s32 s9, s5;
	s5 =	sadd.s32 $0x34400, s8  }
0xe: {  	s8 =	smax.u32 s11, $0x1;
	s11 =	sshrl.u32 s12, $0x3;
	s12 =	simm.s32 $0x2  }
0xf: {  	s7 =	sadd.s32 $0x8C600, s9;
	s9 =	sadd.s32 $0x3200, s10;
	s10 =	sadd.s32 $0x82600, s10  }
.LBB2_1:
0x10: {  	[spmem:s11], [sflag:s6] =	dma.local [hbm:s5], $0x2780  }
0x11: {  	_ =	swait.ge [sflag:s12], $0x2780  }
0x12: {  	[sflag:s12] =	ssyncset.done $0x0  }
0x13: {  	[sflag:s12] =	ssyncadd.s32 $0xFFFFD880  }
0x14: {  	s19 =	sadd.s32 $0x0, s10;
	[bflag:$0x0] =	sbarrier.arrive $0xFFFF  }
0x15: {  	[tilespmem:s13], [sflag:$0x2] =	stream.linear.gather [hbm4b:s19+s3], $0x100, $0x38;
	[tilespmem:$0x1BB00] =	vst v63  }
0x16: {  	_ =	swait.ge [sflag:s12], $0x100  }
0x17: {  	[sflag:s12] =	ssyncset.done $0x0  }
0x18: {  	s31 =	sadd.s32 $0x0, s9;
	[sflag:s12] =	ssyncadd.s32 $0xFFFFFF00  }
0x19: {  	[tilespmem:s14], [sflag:$0x2] =	stream.linear.gather [hbm4b:s31+s3], $0x100, $0x38;
	[tilespmem:$0x1BB00] =	vst v63  }
0x1a: {  	_ =	swait.ge [sflag:s12], $0x100  }
0x1b: {  	[sflag:s12] =	ssyncset.done $0x0  }
0x1c: {  	[sflag:s12] =	ssyncadd.s32 $0xFFFFFF00  }
0x1d: {  	[tilespmem:s16], [sflag:$0x1] =	stream.indirect.gather [hbm4b:s4+s15], $0x80, s13, s15, $0xb8;
	[tilespmem:$0x1BB00] =	vst v63  }
0x1e: {  	_ =	swait.ge [sflag:s17], $0x8000  }
0x1f: {  	[sflag:s17] =	ssyncset.done $0x0  }
0x20: {  	[sflag:s17] =	ssyncadd.s32 $0xFFFF8000  }
0x21: {  	[spmem:s2] =	stream.indirect.scatter.add.f32 [tilespmem:s16], [sflag:$0x2], $0x80, s14, s15, $0xb8;
	[tilespmem:$0x1BB00] =	vst v63  }
0x22: {  	_ =	swait.ge [sflag:s12], $0x8000  }
0x23: {  	s20 =	simm.s32 $0x40;
	s19 =	simm.s32 $0x20;
	[sflag:s12] =	ssyncset.done $0x0  }
.LBB2_2:
0x24: {  	s21 =	sadd.s32 s19, s10  }
0x25: {  	[sflag:s12] =	ssyncadd.s32 $0xFFFF8000;
	s22 =	smov.u32 s20;
	s23 =	sadd.s32 $0x20, s20  }
0x26: {  	[tilespmem:s13], [sflag:$0x2] =	stream.linear.gather [hbm4b:s21+s3], $0x100, $0x38;
	[tilespmem:$0x1BB00] =	vst v63  }
0x27: {  	p0 =	sne.s32 s20, $0x4E0;
	_ =	swait.ge [sflag:s12], $0x100  }
0x28: {  	[sflag:s12] =	ssyncset.done $0x0  }
0x29: {  	s20 =	sadd.s32 s19, s9;
	s19 =	smov.u32 s22;
	[sflag:s12] =	ssyncadd.s32 $0xFFFFFF00  }
0x2a: {  	[tilespmem:s14], [sflag:$0x2] =	stream.linear.gather [hbm4b:s20+s3], $0x100, $0x38;
	[tilespmem:$0x1BB00] =	vst v63  }
0x2b: {  	_ =	swait.ge [sflag:s12], $0x100  }
0x2c: {  	[sflag:s12] =	ssyncset.done $0x0  }
0x2d: {  	[sflag:s12] =	ssyncadd.s32 $0xFFFFFF00  }
0x2e: {  	[tilespmem:s16], [sflag:$0x1] =	stream.indirect.gather [hbm4b:s4+s15], $0x80, s13, s15, $0xb8;
	[tilespmem:$0x1BB00] =	vst v63  }
0x2f: {  	_ =	swait.ge [sflag:s17], $0x8000  }
.Ltmp0:
0x30: {  	[sflag:s17] =	ssyncset.done $0x0;
	(pc) =	sbr.rel @p0 .LBB2_2-.Ltmp0, $4  }
0x31: {  	[sflag:s17] =	ssyncadd.s32 $0xFFFF8000  }
0x32: {  	[spmem:s2] =	stream.indirect.scatter.add.f32 [tilespmem:s16], [sflag:$0x2], $0x80, s14, s15, $0xb8;
	[tilespmem:$0x1BB00] =	vst v63  }
0x33: {  	_ =	swait.ge [sflag:s12], $0x8000  }
0x34: {  	s20 =	smov.u32 s23;
	[sflag:s12] =	ssyncset.done $0x0  }
0x35: {  	s20 =	sadd.s32 s19, s10;
	[sflag:s12] =	ssyncadd.s32 $0xFFFF8000  }
0x36: {  	[tilespmem:s13], [sflag:$0x2] =	stream.linear.gather [hbm4b:s20+s3], $0x100, $0x38;
	[tilespmem:$0x1BB00] =	vst v63  }
0x37: {  	_ =	swait.ge [sflag:s12], $0x100  }
0x38: {  	[sflag:s12] =	ssyncset.done $0x0  }
0x39: {  	s31 =	sadd.s32 s19, s9;
	[sflag:s12] =	ssyncadd.s32 $0xFFFFFF00  }
0x3a: {  	[tilespmem:s14], [sflag:$0x2] =	stream.linear.gather [hbm4b:s31+s3], $0x100, $0x38;
	[tilespmem:$0x1BB00] =	vst v63  }
0x3b: {  	_ =	swait.ge [sflag:s12], $0x100  }
0x3c: {  	[sflag:s12] =	ssyncset.done $0x0  }
0x3d: {  	[sflag:s12] =	ssyncadd.s32 $0xFFFFFF00  }
0x3e: {  	[tilespmem:s16], [sflag:$0x1] =	stream.indirect.gather [hbm4b:s4+s15], $0x80, s13, s15, $0xb8;
	[tilespmem:$0x1BB00] =	vst v63  }
0x3f: {  	_ =	swait.ge [sflag:s17], $0x8000  }
0x40: {  	[sflag:s17] =	ssyncset.done $0x0  }
0x41: {  	[sflag:s17] =	ssyncadd.s32 $0xFFFF8000  }
0x42: {  	[spmem:s2] =	stream.indirect.scatter.add.f32 [tilespmem:s16], [sflag:$0x2], $0x80, s14, s15, $0xb8;
	[tilespmem:$0x1BB00] =	vst v63  }
0x43: {  	_ =	swait.ge [sflag:s12], $0x8000  }
0x44: {  	s18 =	sadd.s32 $0x1, s18;
	[sflag:s12] =	ssyncset.done $0x0  }
0x45: {  	p0 =	sne.s32 s18, s8;
	[sflag:s12] =	ssyncadd.s32 $0xFFFF8000  }
.Ltmp1:
0x46: {  	[bflag:$0x0] =	sbarrier.arrive $0xFFFF;
	(pc) =	sbr.rel @p0 .LBB2_1-.Ltmp1, $4  }
0x47: {  	[hbm:s7], [sflag:s6] =	dma.local [spmem:s11], $0x2780  }
0x48: {  	_ =	swait.ge [sflag:s12], $0x2780  }
0x49: {  	[sflag:s12] =	ssyncset.done $0x0  }
0x4a: {  	[sflag:s12] =	ssyncadd.s32 $0xFFFFD880  }
0x4b: {  	_ =	sfence.sel $0x180000  }
0x4c: {  	[bflag:$0x0] =	sbarrier.arrive $0xFFFF  }
0x4d: {  	p0 =	sne.s32 s1, $0x0;
	_ =	strace $0x9000004D  }
0x4e: {  	s0 =	sadd.s32 @!p0 $0x100000, s0;
	[bflag:$0x2] =	sbarrier.arrive $0xFFFF  }
0x4f: {  	[sflag:s0] =	ssyncadd.tile.s32 @!p0 $0x1;
	_ =	shalt  }
.Lfunc_end2:
_tile_overlayer_lowered:
.L_overlay_start_2:
0x50: {  	(tag) =	ssettag $0x2  }
0x51: {  	s0 =	rddreg [dreg:$0x0];
	s2 =	stileid.u32  }
0x52: {  	s1 =	rddreg [dreg:$0x1];
	p0 =	sne.s32 s2, $0x0  }
0x53: {  	s3 =	rddreg [dreg:$0x2];
	[bflag:$0x3] =	sbarrier.arrive $0xFFFF;
	s2 =	simm.s32 @!p0 $0x1C02  }
0x54: {  	[timem:s3], [sflag:s2] =	dma.local @!p0 [hbm:s0], s1  }
0x55: {  	s0 =	simm.s32 @!p0 $0x2  }
0x56: {  	_ =	swait.ge @!p0 [sflag:s0], s1  }
0x57: {  	s1 =	ssub.s32 @!p0 $0x0, s1;
	[sflag:s0] =	ssyncset.done @!p0 $0x0  }
0x58: {  	[sflag:s0] =	ssyncadd.s32 @!p0 s1  }
0x59: {  	[bflag:$0x3] =	sbarrier.arrive $0xFFFF  }
0x5a: {  	_ =	shalt  }

// kernel: kernel.20.cloned.1.call-start
scs
__scs_entry_jumppad:
0x0: {  	(pc) =	sbr.rel $0x88, $3  }
0x1: {  	(tag) =	ssettag $0x0;
	lr =	simm.s32 $0x1  }
0x2: {  	[smem:$0x3F95] =	sst lr;
	_ =	strace $0xD0000000  }
0x3: {  	_ = 	snop  }
0x4: {  	_ = 	snop  }
0x5: {  	_ = 	snop  }
0x6: {  	_ = 	snop  }
0x7: {  	_ = 	snop  }
__scs_overlays_trampoline_lowered:
0x8: {  	[smem:$0x3FA4] =	sst s0  }
0x9: {  	[smem:$0x3FA5] =	sst s1  }
0xa: {  	[smem:$0x3FA6] =	sst s2  }
0xb: {  	[smem:$0x3FA7] =	sst s3  }
0xc: {  	[smem:$0x3FA8] =	sst s4  }
0xd: {  	[smem:$0x3FA9] =	sst s5  }
0xe: {  	[smem:$0x3FAA] =	sst s6  }
0xf: {  	[smem:$0x3FAB] =	sst s7  }
0x10: {  	[smem:$0x3FAC] =	sst s8  }
0x11: {  	[smem:$0x3FAD] =	sst s9;
	s0 =	simm.s32 @!p0 $0x0  }
0x12: {  	s1 =	sld [smem:$0x3F93];
	s0 =	simm.s32 @p0 $0x1  }
0x13: {  	[smem:$0x3FAE] =	sst s0;
	s0 =	simm.s32 @!p1 $0x0  }
0x14: {  	s2 =	sld [smem:$0x3F92];
	s0 =	simm.s32 @p1 $0x1  }
0x15: {  	[smem:$0x3FAF] =	sst s0;
	s0 =	simm.s32 @!p2 $0x0  }
0x16: {  	s3 =	sld [smem:$0x3FDB];
	s0 =	simm.s32 @p2 $0x1  }
0x17: {  	s4 =	simm.s32 $0x1BF5;
	[smem:$0x3FB1] =	sst s0  }
0x18: {  	s0 =	sld [smem:$0x3F94];
	_ =	swait.ge [sflag:s4], $0x0  }
0x19: {  	s7 =	sld [smem:$0x3F95]  }
0x1a: {  	s8 =	sadd.s32 $0xFFFFE003, lr  }
0x1b: {  	s9 =	sadd.s32 $0xFFFFFEF7, lr;
	s5 =	simm.s32 $0xFFFFFFFF;
	p2 =	slt.u32 s8, $0xFFFFF086  }
0x1c: {  	p1 =	slt.u32 s9, $0xF7A;
	s5 =	simm.s32 @!p2 $0x0  }
0x1d: {  	s5 =	simm.s32 @p1 $0x1;
	p0 =	seq.s32 s7, s2  }
0x1e: {  	s7 =	smul.u32 @!p0 $0xF7A, s2;
	p2 =	seq.s32 @!p0 s5, $0x0  }
0x1f: {  	s9 =	smul.u32 $0xF7A, s1;
	s8 =	simm.s32 @!p0 $0x1BF5;
	p2 =	por !p2, p0  }
0x20: {  	[sflag:s8] =	ssyncset.s32 @!p0 $0xFFFFF086;
	s6 =	sadd.s32 @!p0 s3, s7;
	s7 =	simm.s32 @!p0 $0x108  }
0x21: {  	s3 =	sadd.s32 s3, s9;
	s6 =	sadd.s32 @!p0 $0x88, s6;
	s7 =	simm.s32 @p2 $0x1082  }
0x22: {  	[simem:s7], [sflag:s8] =	dma.local @!p0 [hbm:s6], $0xF7A  }
0x23: {  	s9 =	sor.u32 $0xD0000000, s2;
	s6 =	simm.s32 $0x108;
	_ =	swait.ge @!p0 [sflag:s8], $0x0  }
0x24: {  	s3 =	sadd.s32 $0x88, s3;
	s6 =	simm.s32 @!p1 $0x1082;
	[sflag:s4] =	ssyncset.s32 $0xFFFFF086  }
0x25: {  	[simem:s6], [sflag:s4] =	dma.local [hbm:s3], $0xF7A  }
0x26: {  	[smem:$0x3F95] =	sst s1;
	(tag) =	ssettag s2;
	_ =	strace s9  }
0x27: {  	s1 =	sld [smem:$0x3FA5]  }
0x28: {  	s2 =	sld [smem:$0x3FA6]  }
0x29: {  	s4 =	sld [smem:$0x3FA8]  }
0x2a: {  	p0 =	seq.s32 s5, $0x0;
	s5 =	sld [smem:$0x3FA9]  }
0x2b: {  	s6 =	sld [smem:$0x3FAA]  }
0x2c: {  	s7 =	sld [smem:$0x3FAB]  }
0x2d: {  	s3 =	simm.s32 $0x108;
	s8 =	sld [smem:$0x3FAC]  }
0x2e: {  	s3 =	simm.s32 @!p0 $0x1082;
	s9 =	sld [smem:$0x3FAD]  }
0x2f: {  	lr =	sadd.s32 s0, s3;
	s0 =	sld [smem:$0x3FA4]  }
0x30: {  	s3 =	sld [smem:$0x3FA7]  }
0x31: {  	[smem:$0x3FB0] =	sst s10  }
0x32: {  	s10 =	sld [smem:$0x3FAE];
	_ =	sdelay $0x3  }
0x33: {  	p0 =	seq.s32 s10, $0x1;
	s10 =	sld [smem:$0x3FB0];
	_ =	sdelay $0x3  }
0x34: {  	[smem:$0x3FB0] =	sst s10  }
0x35: {  	s10 =	sld [smem:$0x3FAF];
	_ =	sdelay $0x3  }
0x36: {  	p1 =	seq.s32 s10, $0x1;
	s10 =	sld [smem:$0x3FB0];
	_ =	sdelay $0x3  }
0x37: {  	[smem:$0x3FB0] =	sst s10  }
0x38: {  	s10 =	sld [smem:$0x3FB1]  }
0x39: {  	_ = 	snop;
	(pc) =	sbr.ind lr, $3  }
0x3a: {  	_ = 	snop  }
0x3b: {  	_ = 	snop  }
0x3c: {  	p2 =	seq.s32 s10, $0x1;
	s10 =	sld [smem:$0x3FB0]  }
0x3d: {  	_ =	shalt  }
0x3e: {  	_ =	shalt  }
0x3f: {  	_ =	shalt  }
0x40: {  	_ =	shalt  }
0x41: {  	_ =	shalt  }
0x42: {  	_ =	shalt  }
0x43: {  	_ =	shalt  }
0x44: {  	_ =	shalt  }
0x45: {  	_ =	shalt  }
0x46: {  	_ =	shalt  }
0x47: {  	_ =	shalt  }
0x48: {  	_ =	shalt  }
0x49: {  	_ =	shalt  }
0x4a: {  	_ =	shalt  }
0x4b: {  	_ =	shalt  }
0x4c: {  	_ =	shalt  }
0x4d: {  	_ =	shalt  }
0x4e: {  	_ =	shalt  }
0x4f: {  	_ =	shalt  }
0x50: {  	_ =	shalt  }
0x51: {  	_ =	shalt  }
0x52: {  	_ =	shalt  }
0x53: {  	_ =	shalt  }
0x54: {  	_ =	shalt  }
0x55: {  	_ =	shalt  }
0x56: {  	_ =	shalt  }
0x57: {  	_ =	shalt  }
0x58: {  	_ =	shalt  }
0x59: {  	_ =	shalt  }
0x5a: {  	_ =	shalt  }
0x5b: {  	_ =	shalt  }
0x5c: {  	_ =	shalt  }
0x5d: {  	_ =	shalt  }
0x5e: {  	_ =	shalt  }
0x5f: {  	_ =	shalt  }
0x60: {  	_ =	shalt  }
0x61: {  	_ =	shalt  }
0x62: {  	_ =	shalt  }
0x63: {  	_ =	shalt  }
0x64: {  	_ =	shalt  }
0x65: {  	_ =	shalt  }
0x66: {  	_ =	shalt  }
0x67: {  	_ =	shalt  }
0x68: {  	_ =	shalt  }
0x69: {  	_ =	shalt  }
0x6a: {  	_ =	shalt  }
0x6b: {  	_ =	shalt  }
0x6c: {  	_ =	shalt  }
0x6d: {  	_ =	shalt  }
0x6e: {  	_ =	shalt  }
0x6f: {  	_ =	shalt  }
0x70: {  	_ =	shalt  }
0x71: {  	_ =	shalt  }
0x72: {  	_ =	shalt  }
0x73: {  	_ =	shalt  }
0x74: {  	_ =	shalt  }
0x75: {  	_ =	shalt  }
0x76: {  	_ =	shalt  }
0x77: {  	_ =	shalt  }
0x78: {  	_ =	shalt  }
0x79: {  	_ =	shalt  }
0x7a: {  	_ =	shalt  }
0x7b: {  	_ =	shalt  }
0x7c: {  	_ =	shalt  }
0x7d: {  	_ =	shalt  }
0x7e: {  	_ =	shalt  }
0x7f: {  	_ =	shalt  }
0x80: {  	_ =	shalt  }
0x81: {  	_ =	shalt  }
0x82: {  	_ =	shalt  }
0x83: {  	_ =	shalt  }
0x84: {  	_ =	shalt  }
0x85: {  	_ =	shalt  }
0x86: {  	_ =	shalt  }
0x87: {  	_ =	shalt  }
.Lfunc_end0:
.L_simem_size_0:
called_computation.3_lowered:
.L_overlay_start_0:
0x88: {  	s2 =	sld [smem:$0x3FD9]  }
0x89: {  	s3 =	sld [smem:$0x3FFE];
	_ =	sdelay $0x1  }
0x8a: {  	s1 =	srdreg.scid  }
0x8b: {  	s0 =	sand.u32 $0x1, s1  }
0x8c: {  	s16 =	sshll.u32 s0, $0xA;
	s2 =	sadd.s32 s3, s2  }
0x8d: {  	s2 =	sadd.s32 s2, s16  }
0x8e: {  	[smem:$0x3FBC] =	sst s2  }
0x8f: {  	_ = 	snop  }
0x90: {  	(tm) =	ssettm $0x1  }
0x91: {  	s17 =	sld [smem:$0x3FFB];
	_ =	sdelay $0x3  }
0x92: {  	_ =	strace s17  }
0x93: {  	s2 =	sld [smem:$0x3FFC];
	_ =	sdelay $0x3  }
0x94: {  	_ =	strace s2  }
0x95: {  	s2 =	sld [smem:$0x3FFD];
	_ =	sdelay $0x3  }
0x96: {  	_ =	strace s2  }
0x97: {  	_ =	strace $0x8FFFFFFF  }
0x98: {  	s18 =	sld [smem:$0x3FDB];
	_ =	sdelay $0x1  }
0x99: {  	s19 =	simm.s32 $_scs_section_size  }
0x9a: {  	s4 =	simm.s32 $_size__tile_overlayer_lowered;
	s5 =	simm.s32 $_tile_overlayer_lowered  }
0x9b: {  	s22 =	simm.s32 $0x1BFF;
	s21 =	sshll.u32 s5, $0x1;
	s2 =	sadd.s32 s19, s18  }
0x9c: {  	s6 =	simm.s32 $0x0;
	s20 =	sshll.u32 s4, $0x1;
	s4 =	sadd.s32 s21, s2  }
0x9d: {  	[timem:s6], [sflag:s22] =	dma.local [hbm:s4], s20  }
0x9e: {  	_ =	swait.ge [sflag:s22], s20  }
0x9f: {  	s3 =	ssub.s32 $0x0, s20;
	[sflag:s22] =	ssyncset.done $0x0  }
0xa0: {  	[sflag:s22] =	ssyncadd.s32 s3;
	_ =	sdelay $0x1  }
0xa1: {  	s23 =	simm.s32 $0x1B8B  }
0xa2: {  	_ =	swait.ge [sflag:s23], $0x1  }
0xa3: {  	[sflag:s23] =	ssyncset.done $0x0  }
0xa4: {  	s25 =	simm.s32 $0x1B8E;
	s24 =	sld [smem:$0x3FFE];
	[sflag:s23] =	ssyncadd.s32 $0xFFFFFFFF  }
0xa5: {  	s26 =	simm.s32 $execute0_lowered;
	[smem:$0x3FD2] =	sst s25  }
0xa6: {  	s4 =	sshll.u32 s26, $0x1;
	_ =	strace $0x8000004F;
	[dreg:$0x1] =	wrdreg $0xFFFFFFFF  }
0xa7: {  	s28 =	simm.s32 $_size_execute0_lowered;
	s2 =	sadd.s32 s2, s4;
	[dreg:$0x0] =	wrdreg $0x0  }
0xa8: {  	s4 =	sshll.u32 s28, $0x1;
	[dreg:$0x2] =	wrdreg s2  }
0xa9: {  	[dreg:$0x3] =	wrdreg s4  }
0xaa: {  	[dreg:$0x4] =	wrdreg $0xC0  }
0xab: {  	_ =	task [dreg:s6], $0x5FFFF  }
0xac: {  	[dreg:$0x1] =	wrdreg $0xFFFFFFFF  }
0xad: {  	[dreg:$0x0] =	wrdreg $0x60  }
0xae: {  	[dreg:$0x2] =	wrdreg s24  }
0xaf: {  	[dreg:$0x3] =	wrdreg $0x0  }
0xb0: {  	[dreg:$0x4] =	wrdreg $0x9  }
0xb1: {  	_ =	task.clear_ibuf [dreg:s6], $0x5FFFF;
	_ =	strace $0x9000004F  }
0xb2: {  	s29 =	simm.s32 $0x9;
	_ =	strace $0x80000051  }
0xb3: {  	_ =	swait.ge [sflag:s29], $0x1  }
0xb4: {  	[sflag:s29] =	ssyncadd.s32 $0xFFFFFFFF  }
0xb5: {  	_ =	strace $0x90000051  }
0xb6: {  	_ =	sfence  }
0xb7: {  	s30 =	sld [smem:$0x0];
	_ =	sdelay $0x2  }
0xb8: {  	s31 =	sshll.u32 s1, $0xD;
	s1 =	sshrl.u32 s1, $0x2  }
0xb9: {  	s3 =	sand.u32 $0x4000, s31;
	s1 =	sadd.s32 s1, s30  }
0xba: {  	s0 =	sor.u32 s3, s0;
	s1 =	sshll.u32 s1, $0x11  }
0xbb: {  	s0 =	sor.u32 s1, s0  }
0xbc: {  	s0 =	sadd.s32 $0x8F2B, s0  }
0xbd: {  	[sflag:s0] =	ssyncadd.remote.s32 $0x1  }
0xbe: {  	_ =	sfence.sel $0xFFFF  }
0xbf: {  	[dreg:$0x0] =	wrdreg $0xFFFFFFFF;
	(pc) =	sbr.abs _section_cstart, $3  }
0xc0: {  	[dreg:$0x1] =	wrdreg $0xFFFFFFFF  }
0xc1: {  	_ =	task.clear_ibuf [dreg:s6], $0x2FFFF;
	_ =	strace $0x9FFFFFFF  }
0xc2: {  	(tm) =	ssettm $0x7FFFFFFF  }
0xc3: {  	_ =	shalt  }
tec
execute0_lowered:
.L_overlay_start_1:
0x0: {  	(tag) =	ssettag $0x1  }
0x1: {  	s5 =	rddreg [dreg:$0x0];
	s0 =	srdreg.scid  }
0x2: {  	s2 =	rddreg [dreg:$0x1];
	s1 =	stileid.u32  }
0x3: {  	s3 =	simm.s32 $0x0;
	s13 =	simm.s32 $0x13900;
	s14 =	simm.s32 $0x13A00  }
0x4: {  	s15 =	simm.s32 $0x100;
	s16 =	simm.s32 $0x13B00;
	s17 =	simm.s32 $0x1  }
0x5: {  	s6 =	sand.u32 $0x1, s0;
	s0 =	rddreg [dreg:$0x2];
	s7 =	smul.u32 $0x2800, s1  }
0x6: {  	s18 =	simm.s32 $0x0;
	[smem:$0x7FF] =	sst s3;
	s8 =	smul.u32 $0x278, s1  }
0x7: {  	s31 =	sshll.u32 s1, $0x6;
	s4 =	smul.u32 $0x28000, s6;
	_ =	strace $0x80000050  }
0x8: {  	s9 =	smul.u32 $0x138800, s6;
	s6 =	ssub.s32 $0x2, s6;
	s8 =	smin.u32 s8, $0x2498  }
0x9: {  	s11 =	sshrl.u32 s6, $0x1;
	s4 =	sadd.s32 s7, s4;
	s30 =	sshll.u32 s8, $0x7  }
0xa: {  	s8 =	sshll.u32 s8, $0x4;
	s11 =	ssub.s32 s6, s11;
	s6 =	sor.u32 $0x1C02, s31  }
0xb: {  	s7 =	sshrl.u32 s4, $0x3;
	s4 =	sadd.s32 $0xD200, s5;
	s9 =	sadd.s32 s9, s30  }
0xc: {  	s8 =	sadd.s32 s8, s5;
	s12 =	sadd.s32 s30, s2;
	s9 =	sshrl.u32 s9, $0x3  }
0xd: {  	s10 =	sadd.s32 s7, s5;
	s9 =	sadd.s32 s9, s5;
	s5 =	sadd.s32 $0x34400, s8  }
0xe: {  	s8 =	smax.u32 s11, $0x1;
	s11 =	sshrl.u32 s12, $0x3;
	s12 =	simm.s32 $0x2  }
0xf: {  	s7 =	sadd.s32 $0x8C600, s9;
	s9 =	sadd.s32 $0x3200, s10;
	s10 =	sadd.s32 $0x82600, s10  }
.LBB2_1:
0x10: {  	[spmem:s11], [sflag:s6] =	dma.local [hbm:s5], $0x2780  }
0x11: {  	_ =	swait.ge [sflag:s12], $0x2780  }
0x12: {  	[sflag:s12] =	ssyncset.done $0x0  }
0x13: {  	[sflag:s12] =	ssyncadd.s32 $0xFFFFD880  }
0x14: {  	s19 =	sadd.s32 $0x0, s10;
	[bflag:$0x0] =	sbarrier.arrive $0xFFFF  }
0x15: {  	[tilespmem:s13], [sflag:$0x2] =	stream.linear.gather [hbm4b:s19+s3], $0x100, $0x38;
	[tilespmem:$0x1BB00] =	vst v63  }
0x16: {  	_ =	swait.ge [sflag:s12], $0x100  }
0x17: {  	[sflag:s12] =	ssyncset.done $0x0  }
0x18: {  	s31 =	sadd.s32 $0x0, s9;
	[sflag:s12] =	ssyncadd.s32 $0xFFFFFF00  }
0x19: {  	[tilespmem:s14], [sflag:$0x2] =	stream.linear.gather [hbm4b:s31+s3], $0x100, $0x38;
	[tilespmem:$0x1BB00] =	vst v63  }
0x1a: {  	_ =	swait.ge [sflag:s12], $0x100  }
0x1b: {  	[sflag:s12] =	ssyncset.done $0x0  }
0x1c: {  	[sflag:s12] =	ssyncadd.s32 $0xFFFFFF00  }
0x1d: {  	[tilespmem:s16], [sflag:$0x1] =	stream.indirect.gather [hbm4b:s4+s15], $0x80, s13, s15, $0xb8;
	[tilespmem:$0x1BB00] =	vst v63  }
0x1e: {  	_ =	swait.ge [sflag:s17], $0x8000  }
0x1f: {  	[sflag:s17] =	ssyncset.done $0x0  }
0x20: {  	[sflag:s17] =	ssyncadd.s32 $0xFFFF8000  }
0x21: {  	[spmem:s2] =	stream.indirect.scatter.add.f32 [tilespmem:s16], [sflag:$0x2], $0x80, s14, s15, $0xb8;
	[tilespmem:$0x1BB00] =	vst v63  }
0x22: {  	_ =	swait.ge [sflag:s12], $0x8000  }
0x23: {  	s20 =	simm.s32 $0x40;
	s19 =	simm.s32 $0x20;
	[sflag:s12] =	ssyncset.done $0x0  }
.LBB2_2:
0x24: {  	s21 =	sadd.s32 s19, s10  }
0x25: {  	[sflag:s12] =	ssyncadd.s32 $0xFFFF8000;
	s22 =	smov.u32 s20;
	s23 =	sadd.s32 $0x20, s20  }
0x26: {  	[tilespmem:s13], [sflag:$0x2] =	stream.linear.gather [hbm4b:s21+s3], $0x100, $0x38;
	[tilespmem:$0x1BB00] =	vst v63  }
0x27: {  	p0 =	sne.s32 s20, $0x4E0;
	_ =	swait.ge [sflag:s12], $0x100  }
0x28: {  	[sflag:s12] =	ssyncset.done $0x0  }
0x29: {  	s20 =	sadd.s32 s19, s9;
	s19 =	smov.u32 s22;
	[sflag:s12] =	ssyncadd.s32 $0xFFFFFF00  }
0x2a: {  	[tilespmem:s14], [sflag:$0x2] =	stream.linear.gather [hbm4b:s20+s3], $0x100, $0x38;
	[tilespmem:$0x1BB00] =	vst v63  }
0x2b: {  	_ =	swait.ge [sflag:s12], $0x100  }
0x2c: {  	[sflag:s12] =	ssyncset.done $0x0  }
0x2d: {  	[sflag:s12] =	ssyncadd.s32 $0xFFFFFF00  }
0x2e: {  	[tilespmem:s16], [sflag:$0x1] =	stream.indirect.gather [hbm4b:s4+s15], $0x80, s13, s15, $0xb8;
	[tilespmem:$0x1BB00] =	vst v63  }
0x2f: {  	_ =	swait.ge [sflag:s17], $0x8000  }
.Ltmp0:
0x30: {  	[sflag:s17] =	ssyncset.done $0x0;
	(pc) =	sbr.rel @p0 .LBB2_2-.Ltmp0, $4  }
0x31: {  	[sflag:s17] =	ssyncadd.s32 $0xFFFF8000  }
0x32: {  	[spmem:s2] =	stream.indirect.scatter.add.f32 [tilespmem:s16], [sflag:$0x2], $0x80, s14, s15, $0xb8;
	[tilespmem:$0x1BB00] =	vst v63  }
0x33: {  	_ =	swait.ge [sflag:s12], $0x8000  }
0x34: {  	s20 =	smov.u32 s23;
	[sflag:s12] =	ssyncset.done $0x0  }
0x35: {  	s20 =	sadd.s32 s19, s10;
	[sflag:s12] =	ssyncadd.s32 $0xFFFF8000  }
0x36: {  	[tilespmem:s13], [sflag:$0x2] =	stream.linear.gather [hbm4b:s20+s3], $0x100, $0x38;
	[tilespmem:$0x1BB00] =	vst v63  }
0x37: {  	_ =	swait.ge [sflag:s12], $0x100  }
0x38: {  	[sflag:s12] =	ssyncset.done $0x0  }
0x39: {  	s31 =	sadd.s32 s19, s9;
	[sflag:s12] =	ssyncadd.s32 $0xFFFFFF00  }
0x3a: {  	[tilespmem:s14], [sflag:$0x2] =	stream.linear.gather [hbm4b:s31+s3], $0x100, $0x38;
	[tilespmem:$0x1BB00] =	vst v63  }
0x3b: {  	_ =	swait.ge [sflag:s12], $0x100  }
0x3c: {  	[sflag:s12] =	ssyncset.done $0x0  }
0x3d: {  	[sflag:s12] =	ssyncadd.s32 $0xFFFFFF00  }
0x3e: {  	[tilespmem:s16], [sflag:$0x1] =	stream.indirect.gather [hbm4b:s4+s15], $0x80, s13, s15, $0xb8;
	[tilespmem:$0x1BB00] =	vst v63  }
0x3f: {  	_ =	swait.ge [sflag:s17], $0x8000  }
0x40: {  	[sflag:s17] =	ssyncset.done $0x0  }
0x41: {  	[sflag:s17] =	ssyncadd.s32 $0xFFFF8000  }
0x42: {  	[spmem:s2] =	stream.indirect.scatter.add.f32 [tilespmem:s16], [sflag:$0x2], $0x80, s14, s15, $0xb8;
	[tilespmem:$0x1BB00] =	vst v63  }
0x43: {  	_ =	swait.ge [sflag:s12], $0x8000  }
0x44: {  	s18 =	sadd.s32 $0x1, s18;
	[sflag:s12] =	ssyncset.done $0x0  }
0x45: {  	p0 =	sne.s32 s18, s8;
	[sflag:s12] =	ssyncadd.s32 $0xFFFF8000  }
.Ltmp1:
0x46: {  	[bflag:$0x0] =	sbarrier.arrive $0xFFFF;
	(pc) =	sbr.rel @p0 .LBB2_1-.Ltmp1, $4  }
0x47: {  	[hbm:s7], [sflag:s6] =	dma.local [spmem:s11], $0x2780  }
0x48: {  	_ =	swait.ge [sflag:s12], $0x2780  }
0x49: {  	[sflag:s12] =	ssyncset.done $0x0  }
0x4a: {  	[sflag:s12] =	ssyncadd.s32 $0xFFFFD880  }
0x4b: {  	_ =	sfence.sel $0x180000  }
0x4c: {  	[bflag:$0x0] =	sbarrier.arrive $0xFFFF  }
0x4d: {  	p0 =	sne.s32 s1, $0x0;
	_ =	strace $0x90000050  }
0x4e: {  	s0 =	sadd.s32 @!p0 $0x100000, s0;
	[bflag:$0x2] =	sbarrier.arrive $0xFFFF  }
0x4f: {  	[sflag:s0] =	ssyncadd.tile.s32 @!p0 $0x1;
	_ =	shalt  }
.Lfunc_end2:
_tile_overlayer_lowered:
.L_overlay_start_2:
0x50: {  	(tag) =	ssettag $0x2  }
0x51: {  	s0 =	rddreg [dreg:$0x0];
	s2 =	stileid.u32  }
0x52: {  	s1 =	rddreg [dreg:$0x1];
	p0 =	sne.s32 s2, $0x0  }
0x53: {  	s3 =	rddreg [dreg:$0x2];
	[bflag:$0x3] =	sbarrier.arrive $0xFFFF;
	s2 =	simm.s32 @!p0 $0x1C02  }
0x54: {  	[timem:s3], [sflag:s2] =	dma.local @!p0 [hbm:s0], s1  }
0x55: {  	s0 =	simm.s32 @!p0 $0x2  }
0x56: {  	_ =	swait.ge @!p0 [sflag:s0], s1  }
0x57: {  	s1 =	ssub.s32 @!p0 $0x0, s1;
	[sflag:s0] =	ssyncset.done @!p0 $0x0  }
0x58: {  	[sflag:s0] =	ssyncadd.s32 @!p0 s1  }
0x59: {  	[bflag:$0x3] =	sbarrier.arrive $0xFFFF  }
0x5a: {  	_ =	shalt  }

</sc_bundles>
